<compile_context>
chip_gen: v7x
topology: tpu7x:2x2x1
jax: 0.10.2.dev20260603
libtpu: 0.0.44.dev20260713+nightly
codegen_flags: <defaults>
</compile_context>

<pallas_src>
import functools

import jax
import jax.numpy as jnp
from jax import lax
from jax.experimental import pallas as pl
from jax.experimental.pallas import tpu as pltpu
from jax.experimental.pallas import tpu_sc as plsc

EMBED_DIM = 32

_NC = 2
_NS = 16
_NW = _NC * _NS

_TOT = 16384 * 20
_PER_W = _TOT // _NW
_CHUNK = 512
_NCHUNK = _PER_W // _CHUNK
_NBUF = 4

_mesh = plsc.VectorSubcoreMesh(core_axis_name="c", subcore_axis_name="s")


@functools.partial(
    pl.kernel,
    mesh=_mesh,
    out_type=jax.ShapeDtypeStruct((_TOT, EMBED_DIM), jnp.float32),
    scratch_types=(
        [pltpu.VMEM((_PER_W,), jnp.int32)]
        + [pltpu.VMEM((_CHUNK, EMBED_DIM), jnp.float32) for _ in range(_NBUF)]
        + [pltpu.SemaphoreType.DMA for _ in range(2 * _NBUF)]
    ),
    compiler_params=pltpu.CompilerParams(use_tc_tiling_on_sc=False),
)
def _gather_kernel(ids_hbm, table_hbm, out_hbm, idx_v, *bufs_sems):
    rows = bufs_sems[:_NBUF]
    gsem = bufs_sems[_NBUF:2 * _NBUF]
    wsem = bufs_sems[2 * _NBUF:]

    wid = lax.axis_index("s") * _NC + lax.axis_index("c")
    base = wid * _PER_W

    pltpu.sync_copy(ids_hbm.at[pl.ds(base, _PER_W)], idx_v)

    def start_gather(i, b):
        return pltpu.async_copy(
            table_hbm.at[idx_v.at[pl.ds(i * _CHUNK, _CHUNK)]], rows[b], gsem[b])

    def start_write(i, b):
        return pltpu.async_copy(
            rows[b], out_hbm.at[pl.ds(base + i * _CHUNK, _CHUNK)], wsem[b])

    g = [None] * _NBUF
    w = [None] * _NBUF
    for i in range(min(_NBUF, _NCHUNK)):
        g[i] = start_gather(i, i)
    for i in range(_NCHUNK):
        b = i % _NBUF
        g[b].wait()
        w[b] = start_write(i, b)
        j = i + _NBUF
        if j < _NCHUNK:
            w[b].wait()
            g[b] = start_gather(j, b)
        else:
            w[b].wait()


def kernel(input_ids, embedding_table):
    flat = input_ids.reshape(-1).astype(jnp.int32)
    out = _gather_kernel(flat, embedding_table)
    out = out.reshape(input_ids.shape + (EMBED_DIM,))
    return (out, embedding_table)

# --- scband reference (transcript-rebuilt; emitter-appended) ---
"""Pipeline reference for scband-embedding-lookup-layer-15066745274773 (READ-ONLY COPY).

The authoritative reference and input builder live on the scoring server;
editing this copy changes nothing except your own understanding.
"""

import jax, jax.numpy as jnp
import numpy as np

VOCAB_SIZE = 1000000
EMBED_DIM = 32
BATCH = 16384
SEQ = 20

def setup_inputs(seed: int = 0) -> dict:
    key = jax.random.key(seed)
    k1, k2 = jax.random.split(key)
    input_ids = jax.random.randint(k1, (BATCH, SEQ), 0, VOCAB_SIZE, dtype=jnp.int64 if jax.config.jax_enable_x64 else jnp.int32)
    # truncated normal init with stddev=0.02 (approximate with truncated_normal primitive)
    embedding_table = 0.02 * jax.random.truncated_normal(k2, -2.0, 2.0, (VOCAB_SIZE, EMBED_DIM), dtype=jnp.float32)
    return {"input_ids": input_ids, "embedding_table": embedding_table}

def reference(input_ids, embedding_table):
    # Faithful translation of EmbeddingLookupLayer.call with use_one_hot_embeddings=False
    # input_ids: [B, L] -> expand dims -> [B, L, 1]
    ids = input_ids[..., None]
    flat_input_ids = ids.reshape(-1)
    output = jnp.take(embedding_table, flat_input_ids, axis=0)
    # reshape to input_shape[0:-1] + [last_dim * embedding_size] = [B, L, 1*EMBED_DIM]
    out_shape = ids.shape[:-1] + (ids.shape[-1] * EMBED_DIM,)
    output = output.reshape(out_shape)
    return (output, embedding_table)

if __name__ == "__main__":
    import jax
    _d = setup_inputs()
    print(jax.jit(kernel)(*tuple(_d.values())))

</pallas_src>

<mosaic_0001>
#map = affine_map<(d0, d1) -> (0)>
#map1 = affine_map<(d0, d1) -> (0, 0)>
module attributes {stable_mosaic.version = 14 : i64} {
  func.func @_gather_kernel(%arg0: i32, %arg1: i32, %arg2: memref<327680xi32, #tpu.memory_space<hbm>>, %arg3: memref<1000000x32xf32, #tpu.memory_space<hbm>>, %arg4: memref<327680x32xf32, #tpu.memory_space<hbm>>, %arg5: memref<10240xi32, #tpu.memory_space<vmem>>, %arg6: memref<512x32xf32, #tpu.memory_space<vmem>>, %arg7: memref<512x32xf32, #tpu.memory_space<vmem>>, %arg8: memref<512x32xf32, #tpu.memory_space<vmem>>, %arg9: memref<512x32xf32, #tpu.memory_space<vmem>>, %arg10: memref<!tpu.dma_semaphore, #tpu.memory_space<semaphore_mem>>, %arg11: memref<!tpu.dma_semaphore, #tpu.memory_space<semaphore_mem>>, %arg12: memref<!tpu.dma_semaphore, #tpu.memory_space<semaphore_mem>>, %arg13: memref<!tpu.dma_semaphore, #tpu.memory_space<semaphore_mem>>, %arg14: memref<!tpu.dma_semaphore, #tpu.memory_space<semaphore_mem>>, %arg15: memref<!tpu.dma_semaphore, #tpu.memory_space<semaphore_mem>>, %arg16: memref<!tpu.dma_semaphore, #tpu.memory_space<semaphore_mem>>, %arg17: memref<!tpu.dma_semaphore, #tpu.memory_space<semaphore_mem>>) attributes {dimension_semantics = [#tpu.dimension_semantics<core_parallel>, #tpu.dimension_semantics<subcore_parallel>], iteration_bounds = array<i64: 2, 16>, scalar_prefetch = 0 : i64, scratch_operands = 13 : i64, tpu.core_type = #tpu.core_type<sc_vector_subcore>, window_params = [{transform_indices = #map}, {transform_indices = #map1}, {transform_indices = #map1}]} {
    %mul3A = arith.constant 2 : i32
    %mul3A_0 = arith.muli %arg1, %mul3A : i32
    %add3A = arith.addi %mul3A_0, %arg0 : i32
    %mul3A_1 = arith.constant 10240 : i32
    %mul3A_2 = arith.muli %add3A, %mul3A_1 : i32
    "tpu.region"() ({
      %run_scoped3A = tpu.sem_alloc : memref<!tpu.dma_semaphore, #tpu.memory_space<semaphore_mem>>
      %dma_start3A_401 = tpu.memref_slice %arg2[%mul3A_2] : memref<327680xi32, #tpu.memory_space<hbm>> -> memref<10240xi32, #tpu.memory_space<hbm>>
      %dma_start3A_402 = tpu.memref_slice %arg2[%mul3A_2] : memref<327680xi32, #tpu.memory_space<hbm>> -> memref<10240xi32, #tpu.memory_space<hbm>>
      tpu.enqueue_dma source(%dma_start3A_402 : memref<10240xi32, #tpu.memory_space<hbm>>) target(%arg5 : memref<10240xi32, #tpu.memory_space<vmem>>) target_semaphore(%run_scoped3A : memref<!tpu.dma_semaphore, #tpu.memory_space<semaphore_mem>>)
      %dma_wait3A_403 = tpu.memref_slice %arg2[%mul3A_2] : memref<327680xi32, #tpu.memory_space<hbm>> -> memref<10240xi32, #tpu.memory_space<hbm>>
      %dma_wait3A_404 = tpu.memref_slice %arg2[%mul3A_2] : memref<327680xi32, #tpu.memory_space<hbm>> -> memref<10240xi32, #tpu.memory_space<hbm>>
      tpu.wait_dma2 semaphore(%run_scoped3A : memref<!tpu.dma_semaphore, #tpu.memory_space<semaphore_mem>>) src(%dma_wait3A_404 : memref<10240xi32, #tpu.memory_space<hbm>>) dst(%arg5 : memref<10240xi32, #tpu.memory_space<vmem>>)
      tpu.yield
    }) : () -> ()
    %dma_start3A = arith.constant 0 : i32
    %dma_start3A_3 = tpu.memref_slice %arg5[%dma_start3A] : memref<10240xi32, #tpu.memory_space<vmem>> -> memref<512xi32, #tpu.memory_space<vmem>>
    %dma_start3A_4 = arith.constant 0 : i32
    %dma_start3A_5 = arith.constant 0 : i32
    %dma_start3A_6 = tpu.memref_slice %arg3[%dma_start3A_4, %dma_start3A_5] : memref<1000000x32xf32, #tpu.memory_space<hbm>> -> memref<1000000x32xf32, #tpu.memory_space<hbm>>
    tpu.enqueue_indirect_dma source(%dma_start3A_6 : memref<1000000x32xf32, #tpu.memory_space<hbm>>) target(%arg6 : memref<512x32xf32, #tpu.memory_space<vmem>>) offsets(%dma_start3A_3 : memref<512xi32, #tpu.memory_space<vmem>>) semaphore(%arg10 : memref<!tpu.dma_semaphore, #tpu.memory_space<semaphore_mem>>)
    %dma_start3A_7 = arith.constant 512 : i32
    %dma_start3A_8 = tpu.memref_slice %arg5[%dma_start3A_7] : memref<10240xi32, #tpu.memory_space<vmem>> -> memref<512xi32, #tpu.memory_space<vmem>>
    %dma_start3A_9 = arith.constant 0 : i32
    %dma_start3A_10 = arith.constant 0 : i32
    %dma_start3A_11 = tpu.memref_slice %arg3[%dma_start3A_9, %dma_start3A_10] : memref<1000000x32xf32, #tpu.memory_space<hbm>> -> memref<1000000x32xf32, #tpu.memory_space<hbm>>
    tpu.enqueue_indirect_dma source(%dma_start3A_11 : memref<1000000x32xf32, #tpu.memory_space<hbm>>) target(%arg7 : memref<512x32xf32, #tpu.memory_space<vmem>>) offsets(%dma_start3A_8 : memref<512xi32, #tpu.memory_space<vmem>>) semaphore(%arg11 : memref<!tpu.dma_semaphore, #tpu.memory_space<semaphore_mem>>)
    %dma_start3A_12 = arith.constant 1024 : i32
    %dma_start3A_13 = tpu.memref_slice %arg5[%dma_start3A_12] : memref<10240xi32, #tpu.memory_space<vmem>> -> memref<512xi32, #tpu.memory_space<vmem>>
    %dma_start3A_14 = arith.constant 0 : i32
    %dma_start3A_15 = arith.constant 0 : i32
    %dma_start3A_16 = tpu.memref_slice %arg3[%dma_start3A_14, %dma_start3A_15] : memref<1000000x32xf32, #tpu.memory_space<hbm>> -> memref<1000000x32xf32, #tpu.memory_space<hbm>>
    tpu.enqueue_indirect_dma source(%dma_start3A_16 : memref<1000000x32xf32, #tpu.memory_space<hbm>>) target(%arg8 : memref<512x32xf32, #tpu.memory_space<vmem>>) offsets(%dma_start3A_13 : memref<512xi32, #tpu.memory_space<vmem>>) semaphore(%arg12 : memref<!tpu.dma_semaphore, #tpu.memory_space<semaphore_mem>>)
    %dma_start3A_17 = arith.constant 1536 : i32
    %dma_start3A_18 = tpu.memref_slice %arg5[%dma_start3A_17] : memref<10240xi32, #tpu.memory_space<vmem>> -> memref<512xi32, #tpu.memory_space<vmem>>
    %dma_start3A_19 = arith.constant 0 : i32
    %dma_start3A_20 = arith.constant 0 : i32
    %dma_start3A_21 = tpu.memref_slice %arg3[%dma_start3A_19, %dma_start3A_20] : memref<1000000x32xf32, #tpu.memory_space<hbm>> -> memref<1000000x32xf32, #tpu.memory_space<hbm>>
    tpu.enqueue_indirect_dma source(%dma_start3A_21 : memref<1000000x32xf32, #tpu.memory_space<hbm>>) target(%arg9 : memref<512x32xf32, #tpu.memory_space<vmem>>) offsets(%dma_start3A_18 : memref<512xi32, #tpu.memory_space<vmem>>) semaphore(%arg13 : memref<!tpu.dma_semaphore, #tpu.memory_space<semaphore_mem>>)
    %dma_wait3A = arith.constant 0 : i32
    %dma_wait3A_22 = tpu.memref_slice %arg5[%dma_wait3A] : memref<10240xi32, #tpu.memory_space<vmem>> -> memref<512xi32, #tpu.memory_space<vmem>>
    %dma_wait3A_23 = arith.constant 0 : i32
    %dma_wait3A_24 = arith.constant 0 : i32
    %dma_wait3A_25 = tpu.memref_slice %arg3[%dma_wait3A_23, %dma_wait3A_24] : memref<1000000x32xf32, #tpu.memory_space<hbm>> -> memref<1000000x32xf32, #tpu.memory_space<hbm>>
    tpu.wait_indirect_dma semaphore(%arg10 : memref<!tpu.dma_semaphore, #tpu.memory_space<semaphore_mem>>) src(%dma_wait3A_25 : memref<1000000x32xf32, #tpu.memory_space<hbm>>) dst(%arg6 : memref<512x32xf32, #tpu.memory_space<vmem>>)
    %add3A_26 = arith.constant 0 : i32
    %add3A_27 = arith.addi %mul3A_2, %add3A_26 : i32
    %dma_start3A_28 = arith.constant 0 : i32
    %dma_start3A_29 = tpu.memref_slice %arg4[%add3A_27, %dma_start3A_28] : memref<327680x32xf32, #tpu.memory_space<hbm>> -> memref<512x32xf32, #tpu.memory_space<hbm>>
    %dma_start3A_30 = arith.constant 0 : i32
    %dma_start3A_31 = tpu.memref_slice %arg4[%add3A_27, %dma_start3A_30] : memref<327680x32xf32, #tpu.memory_space<hbm>> -> memref<512x32xf32, #tpu.memory_space<hbm>>
    tpu.enqueue_dma source(%arg6 : memref<512x32xf32, #tpu.memory_space<vmem>>) target(%dma_start3A_31 : memref<512x32xf32, #tpu.memory_space<hbm>>) target_semaphore(%arg14 : memref<!tpu.dma_semaphore, #tpu.memory_space<semaphore_mem>>)
    %dma_wait3A_32 = arith.constant 0 : i32
    %dma_wait3A_33 = tpu.memref_slice %arg4[%add3A_27, %dma_wait3A_32] : memref<327680x32xf32, #tpu.memory_space<hbm>> -> memref<512x32xf32, #tpu.memory_space<hbm>>
    %dma_wait3A_34 = arith.constant 0 : i32
    %dma_wait3A_35 = tpu.memref_slice %arg4[%add3A_27, %dma_wait3A_34] : memref<327680x32xf32, #tpu.memory_space<hbm>> -> memref<512x32xf32, #tpu.memory_space<hbm>>
    tpu.wait_dma2 semaphore(%arg14 : memref<!tpu.dma_semaphore, #tpu.memory_space<semaphore_mem>>) src(%arg6 : memref<512x32xf32, #tpu.memory_space<vmem>>) dst(%dma_wait3A_35 : memref<512x32xf32, #tpu.memory_space<hbm>>)
    %dma_start3A_36 = arith.constant 2048 : i32
    %dma_start3A_37 = tpu.memref_slice %arg5[%dma_start3A_36] : memref<10240xi32, #tpu.memory_space<vmem>> -> memref<512xi32, #tpu.memory_space<vmem>>
    %dma_start3A_38 = arith.constant 0 : i32
    %dma_start3A_39 = arith.constant 0 : i32
    %dma_start3A_40 = tpu.memref_slice %arg3[%dma_start3A_38, %dma_start3A_39] : memref<1000000x32xf32, #tpu.memory_space<hbm>> -> memref<1000000x32xf32, #tpu.memory_space<hbm>>
    tpu.enqueue_indirect_dma source(%dma_start3A_40 : memref<1000000x32xf32, #tpu.memory_space<hbm>>) target(%arg6 : memref<512x32xf32, #tpu.memory_space<vmem>>) offsets(%dma_start3A_37 : memref<512xi32, #tpu.memory_space<vmem>>) semaphore(%arg10 : memref<!tpu.dma_semaphore, #tpu.memory_space<semaphore_mem>>)
    %dma_wait3A_41 = arith.constant 512 : i32
    %dma_wait3A_42 = tpu.memref_slice %arg5[%dma_wait3A_41] : memref<10240xi32, #tpu.memory_space<vmem>> -> memref<512xi32, #tpu.memory_space<vmem>>
    %dma_wait3A_43 = arith.constant 0 : i32
    %dma_wait3A_44 = arith.constant 0 : i32
    %dma_wait3A_45 = tpu.memref_slice %arg3[%dma_wait3A_43, %dma_wait3A_44] : memref<1000000x32xf32, #tpu.memory_space<hbm>> -> memref<1000000x32xf32, #tpu.memory_space<hbm>>
    tpu.wait_indirect_dma semaphore(%arg11 : memref<!tpu.dma_semaphore, #tpu.memory_space<semaphore_mem>>) src(%dma_wait3A_45 : memref<1000000x32xf32, #tpu.memory_space<hbm>>) dst(%arg7 : memref<512x32xf32, #tpu.memory_space<vmem>>)
    %add3A_46 = arith.constant 512 : i32
    %add3A_47 = arith.addi %mul3A_2, %add3A_46 : i32
    %dma_start3A_48 = arith.constant 0 : i32
    %dma_start3A_49 = tpu.memref_slice %arg4[%add3A_47, %dma_start3A_48] : memref<327680x32xf32, #tpu.memory_space<hbm>> -> memref<512x32xf32, #tpu.memory_space<hbm>>
    %dma_start3A_50 = arith.constant 0 : i32
    %dma_start3A_51 = tpu.memref_slice %arg4[%add3A_47, %dma_start3A_50] : memref<327680x32xf32, #tpu.memory_space<hbm>> -> memref<512x32xf32, #tpu.memory_space<hbm>>
    tpu.enqueue_dma source(%arg7 : memref<512x32xf32, #tpu.memory_space<vmem>>) target(%dma_start3A_51 : memref<512x32xf32, #tpu.memory_space<hbm>>) target_semaphore(%arg15 : memref<!tpu.dma_semaphore, #tpu.memory_space<semaphore_mem>>)
    %dma_wait3A_52 = arith.constant 0 : i32
    %dma_wait3A_53 = tpu.memref_slice %arg4[%add3A_47, %dma_wait3A_52] : memref<327680x32xf32, #tpu.memory_space<hbm>> -> memref<512x32xf32, #tpu.memory_space<hbm>>
    %dma_wait3A_54 = arith.constant 0 : i32
    %dma_wait3A_55 = tpu.memref_slice %arg4[%add3A_47, %dma_wait3A_54] : memref<327680x32xf32, #tpu.memory_space<hbm>> -> memref<512x32xf32, #tpu.memory_space<hbm>>
    tpu.wait_dma2 semaphore(%arg15 : memref<!tpu.dma_semaphore, #tpu.memory_space<semaphore_mem>>) src(%arg7 : memref<512x32xf32, #tpu.memory_space<vmem>>) dst(%dma_wait3A_55 : memref<512x32xf32, #tpu.memory_space<hbm>>)
    %dma_start3A_56 = arith.constant 2560 : i32
    %dma_start3A_57 = tpu.memref_slice %arg5[%dma_start3A_56] : memref<10240xi32, #tpu.memory_space<vmem>> -> memref<512xi32, #tpu.memory_space<vmem>>
    %dma_start3A_58 = arith.constant 0 : i32
    %dma_start3A_59 = arith.constant 0 : i32
    %dma_start3A_60 = tpu.memref_slice %arg3[%dma_start3A_58, %dma_start3A_59] : memref<1000000x32xf32, #tpu.memory_space<hbm>> -> memref<1000000x32xf32, #tpu.memory_space<hbm>>
    tpu.enqueue_indirect_dma source(%dma_start3A_60 : memref<1000000x32xf32, #tpu.memory_space<hbm>>) target(%arg7 : memref<512x32xf32, #tpu.memory_space<vmem>>) offsets(%dma_start3A_57 : memref<512xi32, #tpu.memory_space<vmem>>) semaphore(%arg11 : memref<!tpu.dma_semaphore, #tpu.memory_space<semaphore_mem>>)
    %dma_wait3A_61 = arith.constant 1024 : i32
    %dma_wait3A_62 = tpu.memref_slice %arg5[%dma_wait3A_61] : memref<10240xi32, #tpu.memory_space<vmem>> -> memref<512xi32, #tpu.memory_space<vmem>>
    %dma_wait3A_63 = arith.constant 0 : i32
    %dma_wait3A_64 = arith.constant 0 : i32
    %dma_wait3A_65 = tpu.memref_slice %arg3[%dma_wait3A_63, %dma_wait3A_64] : memref<1000000x32xf32, #tpu.memory_space<hbm>> -> memref<1000000x32xf32, #tpu.memory_space<hbm>>
    tpu.wait_indirect_dma semaphore(%arg12 : memref<!tpu.dma_semaphore, #tpu.memory_space<semaphore_mem>>) src(%dma_wait3A_65 : memref<1000000x32xf32, #tpu.memory_space<hbm>>) dst(%arg8 : memref<512x32xf32, #tpu.memory_space<vmem>>)
    %add3A_66 = arith.constant 1024 : i32
    %add3A_67 = arith.addi %mul3A_2, %add3A_66 : i32
    %dma_start3A_68 = arith.constant 0 : i32
    %dma_start3A_69 = tpu.memref_slice %arg4[%add3A_67, %dma_start3A_68] : memref<327680x32xf32, #tpu.memory_space<hbm>> -> memref<512x32xf32, #tpu.memory_space<hbm>>
    %dma_start3A_70 = arith.constant 0 : i32
    %dma_start3A_71 = tpu.memref_slice %arg4[%add3A_67, %dma_start3A_70] : memref<327680x32xf32, #tpu.memory_space<hbm>> -> memref<512x32xf32, #tpu.memory_space<hbm>>
    tpu.enqueue_dma source(%arg8 : memref<512x32xf32, #tpu.memory_space<vmem>>) target(%dma_start3A_71 : memref<512x32xf32, #tpu.memory_space<hbm>>) target_semaphore(%arg16 : memref<!tpu.dma_semaphore, #tpu.memory_space<semaphore_mem>>)
    %dma_wait3A_72 = arith.constant 0 : i32
    %dma_wait3A_73 = tpu.memref_slice %arg4[%add3A_67, %dma_wait3A_72] : memref<327680x32xf32, #tpu.memory_space<hbm>> -> memref<512x32xf32, #tpu.memory_space<hbm>>
    %dma_wait3A_74 = arith.constant 0 : i32
    %dma_wait3A_75 = tpu.memref_slice %arg4[%add3A_67, %dma_wait3A_74] : memref<327680x32xf32, #tpu.memory_space<hbm>> -> memref<512x32xf32, #tpu.memory_space<hbm>>
    tpu.wait_dma2 semaphore(%arg16 : memref<!tpu.dma_semaphore, #tpu.memory_space<semaphore_mem>>) src(%arg8 : memref<512x32xf32, #tpu.memory_space<vmem>>) dst(%dma_wait3A_75 : memref<512x32xf32, #tpu.memory_space<hbm>>)
    %dma_start3A_76 = arith.constant 3072 : i32
    %dma_start3A_77 = tpu.memref_slice %arg5[%dma_start3A_76] : memref<10240xi32, #tpu.memory_space<vmem>> -> memref<512xi32, #tpu.memory_space<vmem>>
    %dma_start3A_78 = arith.constant 0 : i32
    %dma_start3A_79 = arith.constant 0 : i32
    %dma_start3A_80 = tpu.memref_slice %arg3[%dma_start3A_78, %dma_start3A_79] : memref<1000000x32xf32, #tpu.memory_space<hbm>> -> memref<1000000x32xf32, #tpu.memory_space<hbm>>
    tpu.enqueue_indirect_dma source(%dma_start3A_80 : memref<1000000x32xf32, #tpu.memory_space<hbm>>) target(%arg8 : memref<512x32xf32, #tpu.memory_space<vmem>>) offsets(%dma_start3A_77 : memref<512xi32, #tpu.memory_space<vmem>>) semaphore(%arg12 : memref<!tpu.dma_semaphore, #tpu.memory_space<semaphore_mem>>)
    %dma_wait3A_81 = arith.constant 1536 : i32
    %dma_wait3A_82 = tpu.memref_slice %arg5[%dma_wait3A_81] : memref<10240xi32, #tpu.memory_space<vmem>> -> memref<512xi32, #tpu.memory_space<vmem>>
    %dma_wait3A_83 = arith.constant 0 : i32
    %dma_wait3A_84 = arith.constant 0 : i32
    %dma_wait3A_85 = tpu.memref_slice %arg3[%dma_wait3A_83, %dma_wait3A_84] : memref<1000000x32xf32, #tpu.memory_space<hbm>> -> memref<1000000x32xf32, #tpu.memory_space<hbm>>
    tpu.wait_indirect_dma semaphore(%arg13 : memref<!tpu.dma_semaphore, #tpu.memory_space<semaphore_mem>>) src(%dma_wait3A_85 : memref<1000000x32xf32, #tpu.memory_space<hbm>>) dst(%arg9 : memref<512x32xf32, #tpu.memory_space<vmem>>)
    %add3A_86 = arith.constant 1536 : i32
    %add3A_87 = arith.addi %mul3A_2, %add3A_86 : i32
    %dma_start3A_88 = arith.constant 0 : i32
    %dma_start3A_89 = tpu.memref_slice %arg4[%add3A_87, %dma_start3A_88] : memref<327680x32xf32, #tpu.memory_space<hbm>> -> memref<512x32xf32, #tpu.memory_space<hbm>>
    %dma_start3A_90 = arith.constant 0 : i32
    %dma_start3A_91 = tpu.memref_slice %arg4[%add3A_87, %dma_start3A_90] : memref<327680x32xf32, #tpu.memory_space<hbm>> -> memref<512x32xf32, #tpu.memory_space<hbm>>
    tpu.enqueue_dma source(%arg9 : memref<512x32xf32, #tpu.memory_space<vmem>>) target(%dma_start3A_91 : memref<512x32xf32, #tpu.memory_space<hbm>>) target_semaphore(%arg17 : memref<!tpu.dma_semaphore, #tpu.memory_space<semaphore_mem>>)
    %dma_wait3A_92 = arith.constant 0 : i32
    %dma_wait3A_93 = tpu.memref_slice %arg4[%add3A_87, %dma_wait3A_92] : memref<327680x32xf32, #tpu.memory_space<hbm>> -> memref<512x32xf32, #tpu.memory_space<hbm>>
    %dma_wait3A_94 = arith.constant 0 : i32
    %dma_wait3A_95 = tpu.memref_slice %arg4[%add3A_87, %dma_wait3A_94] : memref<327680x32xf32, #tpu.memory_space<hbm>> -> memref<512x32xf32, #tpu.memory_space<hbm>>
    tpu.wait_dma2 semaphore(%arg17 : memref<!tpu.dma_semaphore, #tpu.memory_space<semaphore_mem>>) src(%arg9 : memref<512x32xf32, #tpu.memory_space<vmem>>) dst(%dma_wait3A_95 : memref<512x32xf32, #tpu.memory_space<hbm>>)
    %dma_start3A_96 = arith.constant 3584 : i32
    %dma_start3A_97 = tpu.memref_slice %arg5[%dma_start3A_96] : memref<10240xi32, #tpu.memory_space<vmem>> -> memref<512xi32, #tpu.memory_space<vmem>>
    %dma_start3A_98 = arith.constant 0 : i32
    %dma_start3A_99 = arith.constant 0 : i32
    %dma_start3A_100 = tpu.memref_slice %arg3[%dma_start3A_98, %dma_start3A_99] : memref<1000000x32xf32, #tpu.memory_space<hbm>> -> memref<1000000x32xf32, #tpu.memory_space<hbm>>
    tpu.enqueue_indirect_dma source(%dma_start3A_100 : memref<1000000x32xf32, #tpu.memory_space<hbm>>) target(%arg9 : memref<512x32xf32, #tpu.memory_space<vmem>>) offsets(%dma_start3A_97 : memref<512xi32, #tpu.memory_space<vmem>>) semaphore(%arg13 : memref<!tpu.dma_semaphore, #tpu.memory_space<semaphore_mem>>)
    %dma_wait3A_101 = arith.constant 2048 : i32
    %dma_wait3A_102 = tpu.memref_slice %arg5[%dma_wait3A_101] : memref<10240xi32, #tpu.memory_space<vmem>> -> memref<512xi32, #tpu.memory_space<vmem>>
    %dma_wait3A_103 = arith.constant 0 : i32
    %dma_wait3A_104 = arith.constant 0 : i32
    %dma_wait3A_105 = tpu.memref_slice %arg3[%dma_wait3A_103, %dma_wait3A_104] : memref<1000000x32xf32, #tpu.memory_space<hbm>> -> memref<1000000x32xf32, #tpu.memory_space<hbm>>
    tpu.wait_indirect_dma semaphore(%arg10 : memref<!tpu.dma_semaphore, #tpu.memory_space<semaphore_mem>>) src(%dma_wait3A_105 : memref<1000000x32xf32, #tpu.memory_space<hbm>>) dst(%arg6 : memref<512x32xf32, #tpu.memory_space<vmem>>)
    %add3A_106 = arith.constant 2048 : i32
    %add3A_107 = arith.addi %mul3A_2, %add3A_106 : i32
    %dma_start3A_108 = arith.constant 0 : i32
    %dma_start3A_109 = tpu.memref_slice %arg4[%add3A_107, %dma_start3A_108] : memref<327680x32xf32, #tpu.memory_space<hbm>> -> memref<512x32xf32, #tpu.memory_space<hbm>>
    %dma_start3A_110 = arith.constant 0 : i32
    %dma_start3A_111 = tpu.memref_slice %arg4[%add3A_107, %dma_start3A_110] : memref<327680x32xf32, #tpu.memory_space<hbm>> -> memref<512x32xf32, #tpu.memory_space<hbm>>
    tpu.enqueue_dma source(%arg6 : memref<512x32xf32, #tpu.memory_space<vmem>>) target(%dma_start3A_111 : memref<512x32xf32, #tpu.memory_space<hbm>>) target_semaphore(%arg14 : memref<!tpu.dma_semaphore, #tpu.memory_space<semaphore_mem>>)
    %dma_wait3A_112 = arith.constant 0 : i32
    %dma_wait3A_113 = tpu.memref_slice %arg4[%add3A_107, %dma_wait3A_112] : memref<327680x32xf32, #tpu.memory_space<hbm>> -> memref<512x32xf32, #tpu.memory_space<hbm>>
    %dma_wait3A_114 = arith.constant 0 : i32
    %dma_wait3A_115 = tpu.memref_slice %arg4[%add3A_107, %dma_wait3A_114] : memref<327680x32xf32, #tpu.memory_space<hbm>> -> memref<512x32xf32, #tpu.memory_space<hbm>>
    tpu.wait_dma2 semaphore(%arg14 : memref<!tpu.dma_semaphore, #tpu.memory_space<semaphore_mem>>) src(%arg6 : memref<512x32xf32, #tpu.memory_space<vmem>>) dst(%dma_wait3A_115 : memref<512x32xf32, #tpu.memory_space<hbm>>)
    %dma_start3A_116 = arith.constant 4096 : i32
    %dma_start3A_117 = tpu.memref_slice %arg5[%dma_start3A_116] : memref<10240xi32, #tpu.memory_space<vmem>> -> memref<512xi32, #tpu.memory_space<vmem>>
    %dma_start3A_118 = arith.constant 0 : i32
    %dma_start3A_119 = arith.constant 0 : i32
    %dma_start3A_120 = tpu.memref_slice %arg3[%dma_start3A_118, %dma_start3A_119] : memref<1000000x32xf32, #tpu.memory_space<hbm>> -> memref<1000000x32xf32, #tpu.memory_space<hbm>>
    tpu.enqueue_indirect_dma source(%dma_start3A_120 : memref<1000000x32xf32, #tpu.memory_space<hbm>>) target(%arg6 : memref<512x32xf32, #tpu.memory_space<vmem>>) offsets(%dma_start3A_117 : memref<512xi32, #tpu.memory_space<vmem>>) semaphore(%arg10 : memref<!tpu.dma_semaphore, #tpu.memory_space<semaphore_mem>>)
    %dma_wait3A_121 = arith.constant 2560 : i32
    %dma_wait3A_122 = tpu.memref_slice %arg5[%dma_wait3A_121] : memref<10240xi32, #tpu.memory_space<vmem>> -> memref<512xi32, #tpu.memory_space<vmem>>
    %dma_wait3A_123 = arith.constant 0 : i32
    %dma_wait3A_124 = arith.constant 0 : i32
    %dma_wait3A_125 = tpu.memref_slice %arg3[%dma_wait3A_123, %dma_wait3A_124] : memref<1000000x32xf32, #tpu.memory_space<hbm>> -> memref<1000000x32xf32, #tpu.memory_space<hbm>>
    tpu.wait_indirect_dma semaphore(%arg11 : memref<!tpu.dma_semaphore, #tpu.memory_space<semaphore_mem>>) src(%dma_wait3A_125 : memref<1000000x32xf32, #tpu.memory_space<hbm>>) dst(%arg7 : memref<512x32xf32, #tpu.memory_space<vmem>>)
    %add3A_126 = arith.constant 2560 : i32
    %add3A_127 = arith.addi %mul3A_2, %add3A_126 : i32
    %dma_start3A_128 = arith.constant 0 : i32
    %dma_start3A_129 = tpu.memref_slice %arg4[%add3A_127, %dma_start3A_128] : memref<327680x32xf32, #tpu.memory_space<hbm>> -> memref<512x32xf32, #tpu.memory_space<hbm>>
    %dma_start3A_130 = arith.constant 0 : i32
    %dma_start3A_131 = tpu.memref_slice %arg4[%add3A_127, %dma_start3A_130] : memref<327680x32xf32, #tpu.memory_space<hbm>> -> memref<512x32xf32, #tpu.memory_space<hbm>>
    tpu.enqueue_dma source(%arg7 : memref<512x32xf32, #tpu.memory_space<vmem>>) target(%dma_start3A_131 : memref<512x32xf32, #tpu.memory_space<hbm>>) target_semaphore(%arg15 : memref<!tpu.dma_semaphore, #tpu.memory_space<semaphore_mem>>)
    %dma_wait3A_132 = arith.constant 0 : i32
    %dma_wait3A_133 = tpu.memref_slice %arg4[%add3A_127, %dma_wait3A_132] : memref<327680x32xf32, #tpu.memory_space<hbm>> -> memref<512x32xf32, #tpu.memory_space<hbm>>
    %dma_wait3A_134 = arith.constant 0 : i32
    %dma_wait3A_135 = tpu.memref_slice %arg4[%add3A_127, %dma_wait3A_134] : memref<327680x32xf32, #tpu.memory_space<hbm>> -> memref<512x32xf32, #tpu.memory_space<hbm>>
    tpu.wait_dma2 semaphore(%arg15 : memref<!tpu.dma_semaphore, #tpu.memory_space<semaphore_mem>>) src(%arg7 : memref<512x32xf32, #tpu.memory_space<vmem>>) dst(%dma_wait3A_135 : memref<512x32xf32, #tpu.memory_space<hbm>>)
    %dma_start3A_136 = arith.constant 4608 : i32
    %dma_start3A_137 = tpu.memref_slice %arg5[%dma_start3A_136] : memref<10240xi32, #tpu.memory_space<vmem>> -> memref<512xi32, #tpu.memory_space<vmem>>
    %dma_start3A_138 = arith.constant 0 : i32
    %dma_start3A_139 = arith.constant 0 : i32
    %dma_start3A_140 = tpu.memref_slice %arg3[%dma_start3A_138, %dma_start3A_139] : memref<1000000x32xf32, #tpu.memory_space<hbm>> -> memref<1000000x32xf32, #tpu.memory_space<hbm>>
    tpu.enqueue_indirect_dma source(%dma_start3A_140 : memref<1000000x32xf32, #tpu.memory_space<hbm>>) target(%arg7 : memref<512x32xf32, #tpu.memory_space<vmem>>) offsets(%dma_start3A_137 : memref<512xi32, #tpu.memory_space<vmem>>) semaphore(%arg11 : memref<!tpu.dma_semaphore, #tpu.memory_space<semaphore_mem>>)
    %dma_wait3A_141 = arith.constant 3072 : i32
    %dma_wait3A_142 = tpu.memref_slice %arg5[%dma_wait3A_141] : memref<10240xi32, #tpu.memory_space<vmem>> -> memref<512xi32, #tpu.memory_space<vmem>>
    %dma_wait3A_143 = arith.constant 0 : i32
    %dma_wait3A_144 = arith.constant 0 : i32
    %dma_wait3A_145 = tpu.memref_slice %arg3[%dma_wait3A_143, %dma_wait3A_144] : memref<1000000x32xf32, #tpu.memory_space<hbm>> -> memref<1000000x32xf32, #tpu.memory_space<hbm>>
    tpu.wait_indirect_dma semaphore(%arg12 : memref<!tpu.dma_semaphore, #tpu.memory_space<semaphore_mem>>) src(%dma_wait3A_145 : memref<1000000x32xf32, #tpu.memory_space<hbm>>) dst(%arg8 : memref<512x32xf32, #tpu.memory_space<vmem>>)
    %add3A_146 = arith.constant 3072 : i32
    %add3A_147 = arith.addi %mul3A_2, %add3A_146 : i32
    %dma_start3A_148 = arith.constant 0 : i32
    %dma_start3A_149 = tpu.memref_slice %arg4[%add3A_147, %dma_start3A_148] : memref<327680x32xf32, #tpu.memory_space<hbm>> -> memref<512x32xf32, #tpu.memory_space<hbm>>
    %dma_start3A_150 = arith.constant 0 : i32
    %dma_start3A_151 = tpu.memref_slice %arg4[%add3A_147, %dma_start3A_150] : memref<327680x32xf32, #tpu.memory_space<hbm>> -> memref<512x32xf32, #tpu.memory_space<hbm>>
    tpu.enqueue_dma source(%arg8 : memref<512x32xf32, #tpu.memory_space<vmem>>) target(%dma_start3A_151 : memref<512x32xf32, #tpu.memory_space<hbm>>) target_semaphore(%arg16 : memref<!tpu.dma_semaphore, #tpu.memory_space<semaphore_mem>>)
    %dma_wait3A_152 = arith.constant 0 : i32
    %dma_wait3A_153 = tpu.memref_slice %arg4[%add3A_147, %dma_wait3A_152] : memref<327680x32xf32, #tpu.memory_space<hbm>> -> memref<512x32xf32, #tpu.memory_space<hbm>>
    %dma_wait3A_154 = arith.constant 0 : i32
    %dma_wait3A_155 = tpu.memref_slice %arg4[%add3A_147, %dma_wait3A_154] : memref<327680x32xf32, #tpu.memory_space<hbm>> -> memref<512x32xf32, #tpu.memory_space<hbm>>
    tpu.wait_dma2 semaphore(%arg16 : memref<!tpu.dma_semaphore, #tpu.memory_space<semaphore_mem>>) src(%arg8 : memref<512x32xf32, #tpu.memory_space<vmem>>) dst(%dma_wait3A_155 : memref<512x32xf32, #tpu.memory_space<hbm>>)
    %dma_start3A_156 = arith.constant 5120 : i32
    %dma_start3A_157 = tpu.memref_slice %arg5[%dma_start3A_156] : memref<10240xi32, #tpu.memory_space<vmem>> -> memref<512xi32, #tpu.memory_space<vmem>>
    %dma_start3A_158 = arith.constant 0 : i32
    %dma_start3A_159 = arith.constant 0 : i32
    %dma_start3A_160 = tpu.memref_slice %arg3[%dma_start3A_158, %dma_start3A_159] : memref<1000000x32xf32, #tpu.memory_space<hbm>> -> memref<1000000x32xf32, #tpu.memory_space<hbm>>
    tpu.enqueue_indirect_dma source(%dma_start3A_160 : memref<1000000x32xf32, #tpu.memory_space<hbm>>) target(%arg8 : memref<512x32xf32, #tpu.memory_space<vmem>>) offsets(%dma_start3A_157 : memref<512xi32, #tpu.memory_space<vmem>>) semaphore(%arg12 : memref<!tpu.dma_semaphore, #tpu.memory_space<semaphore_mem>>)
    %dma_wait3A_161 = arith.constant 3584 : i32
    %dma_wait3A_162 = tpu.memref_slice %arg5[%dma_wait3A_161] : memref<10240xi32, #tpu.memory_space<vmem>> -> memref<512xi32, #tpu.memory_space<vmem>>
    %dma_wait3A_163 = arith.constant 0 : i32
    %dma_wait3A_164 = arith.constant 0 : i32
    %dma_wait3A_165 = tpu.memref_slice %arg3[%dma_wait3A_163, %dma_wait3A_164] : memref<1000000x32xf32, #tpu.memory_space<hbm>> -> memref<1000000x32xf32, #tpu.memory_space<hbm>>
    tpu.wait_indirect_dma semaphore(%arg13 : memref<!tpu.dma_semaphore, #tpu.memory_space<semaphore_mem>>) src(%dma_wait3A_165 : memref<1000000x32xf32, #tpu.memory_space<hbm>>) dst(%arg9 : memref<512x32xf32, #tpu.memory_space<vmem>>)
    %add3A_166 = arith.constant 3584 : i32
    %add3A_167 = arith.addi %mul3A_2, %add3A_166 : i32
    %dma_start3A_168 = arith.constant 0 : i32
    %dma_start3A_169 = tpu.memref_slice %arg4[%add3A_167, %dma_start3A_168] : memref<327680x32xf32, #tpu.memory_space<hbm>> -> memref<512x32xf32, #tpu.memory_space<hbm>>
    %dma_start3A_170 = arith.constant 0 : i32
    %dma_start3A_171 = tpu.memref_slice %arg4[%add3A_167, %dma_start3A_170] : memref<327680x32xf32, #tpu.memory_space<hbm>> -> memref<512x32xf32, #tpu.memory_space<hbm>>
    tpu.enqueue_dma source(%arg9 : memref<512x32xf32, #tpu.memory_space<vmem>>) target(%dma_start3A_171 : memref<512x32xf32, #tpu.memory_space<hbm>>) target_semaphore(%arg17 : memref<!tpu.dma_semaphore, #tpu.memory_space<semaphore_mem>>)
    %dma_wait3A_172 = arith.constant 0 : i32
    %dma_wait3A_173 = tpu.memref_slice %arg4[%add3A_167, %dma_wait3A_172] : memref<327680x32xf32, #tpu.memory_space<hbm>> -> memref<512x32xf32, #tpu.memory_space<hbm>>
    %dma_wait3A_174 = arith.constant 0 : i32
    %dma_wait3A_175 = tpu.memref_slice %arg4[%add3A_167, %dma_wait3A_174] : memref<327680x32xf32, #tpu.memory_space<hbm>> -> memref<512x32xf32, #tpu.memory_space<hbm>>
    tpu.wait_dma2 semaphore(%arg17 : memref<!tpu.dma_semaphore, #tpu.memory_space<semaphore_mem>>) src(%arg9 : memref<512x32xf32, #tpu.memory_space<vmem>>) dst(%dma_wait3A_175 : memref<512x32xf32, #tpu.memory_space<hbm>>)
    %dma_start3A_176 = arith.constant 5632 : i32
    %dma_start3A_177 = tpu.memref_slice %arg5[%dma_start3A_176] : memref<10240xi32, #tpu.memory_space<vmem>> -> memref<512xi32, #tpu.memory_space<vmem>>
    %dma_start3A_178 = arith.constant 0 : i32
    %dma_start3A_179 = arith.constant 0 : i32
    %dma_start3A_180 = tpu.memref_slice %arg3[%dma_start3A_178, %dma_start3A_179] : memref<1000000x32xf32, #tpu.memory_space<hbm>> -> memref<1000000x32xf32, #tpu.memory_space<hbm>>
    tpu.enqueue_indirect_dma source(%dma_start3A_180 : memref<1000000x32xf32, #tpu.memory_space<hbm>>) target(%arg9 : memref<512x32xf32, #tpu.memory_space<vmem>>) offsets(%dma_start3A_177 : memref<512xi32, #tpu.memory_space<vmem>>) semaphore(%arg13 : memref<!tpu.dma_semaphore, #tpu.memory_space<semaphore_mem>>)
    %dma_wait3A_181 = arith.constant 4096 : i32
    %dma_wait3A_182 = tpu.memref_slice %arg5[%dma_wait3A_181] : memref<10240xi32, #tpu.memory_space<vmem>> -> memref<512xi32, #tpu.memory_space<vmem>>
    %dma_wait3A_183 = arith.constant 0 : i32
    %dma_wait3A_184 = arith.constant 0 : i32
    %dma_wait3A_185 = tpu.memref_slice %arg3[%dma_wait3A_183, %dma_wait3A_184] : memref<1000000x32xf32, #tpu.memory_space<hbm>> -> memref<1000000x32xf32, #tpu.memory_space<hbm>>
    tpu.wait_indirect_dma semaphore(%arg10 : memref<!tpu.dma_semaphore, #tpu.memory_space<semaphore_mem>>) src(%dma_wait3A_185 : memref<1000000x32xf32, #tpu.memory_space<hbm>>) dst(%arg6 : memref<512x32xf32, #tpu.memory_space<vmem>>)
    %add3A_186 = arith.constant 4096 : i32
    %add3A_187 = arith.addi %mul3A_2, %add3A_186 : i32
    %dma_start3A_188 = arith.constant 0 : i32
    %dma_start3A_189 = tpu.memref_slice %arg4[%add3A_187, %dma_start3A_188] : memref<327680x32xf32, #tpu.memory_space<hbm>> -> memref<512x32xf32, #tpu.memory_space<hbm>>
    %dma_start3A_190 = arith.constant 0 : i32
    %dma_start3A_191 = tpu.memref_slice %arg4[%add3A_187, %dma_start3A_190] : memref<327680x32xf32, #tpu.memory_space<hbm>> -> memref<512x32xf32, #tpu.memory_space<hbm>>
    tpu.enqueue_dma source(%arg6 : memref<512x32xf32, #tpu.memory_space<vmem>>) target(%dma_start3A_191 : memref<512x32xf32, #tpu.memory_space<hbm>>) target_semaphore(%arg14 : memref<!tpu.dma_semaphore, #tpu.memory_space<semaphore_mem>>)
    %dma_wait3A_192 = arith.constant 0 : i32
    %dma_wait3A_193 = tpu.memref_slice %arg4[%add3A_187, %dma_wait3A_192] : memref<327680x32xf32, #tpu.memory_space<hbm>> -> memref<512x32xf32, #tpu.memory_space<hbm>>
    %dma_wait3A_194 = arith.constant 0 : i32
    %dma_wait3A_195 = tpu.memref_slice %arg4[%add3A_187, %dma_wait3A_194] : memref<327680x32xf32, #tpu.memory_space<hbm>> -> memref<512x32xf32, #tpu.memory_space<hbm>>
    tpu.wait_dma2 semaphore(%arg14 : memref<!tpu.dma_semaphore, #tpu.memory_space<semaphore_mem>>) src(%arg6 : memref<512x32xf32, #tpu.memory_space<vmem>>) dst(%dma_wait3A_195 : memref<512x32xf32, #tpu.memory_space<hbm>>)
    %dma_start3A_196 = arith.constant 6144 : i32
    %dma_start3A_197 = tpu.memref_slice %arg5[%dma_start3A_196] : memref<10240xi32, #tpu.memory_space<vmem>> -> memref<512xi32, #tpu.memory_space<vmem>>
    %dma_start3A_198 = arith.constant 0 : i32
    %dma_start3A_199 = arith.constant 0 : i32
    %dma_start3A_200 = tpu.memref_slice %arg3[%dma_start3A_198, %dma_start3A_199] : memref<1000000x32xf32, #tpu.memory_space<hbm>> -> memref<1000000x32xf32, #tpu.memory_space<hbm>>
    tpu.enqueue_indirect_dma source(%dma_start3A_200 : memref<1000000x32xf32, #tpu.memory_space<hbm>>) target(%arg6 : memref<512x32xf32, #tpu.memory_space<vmem>>) offsets(%dma_start3A_197 : memref<512xi32, #tpu.memory_space<vmem>>) semaphore(%arg10 : memref<!tpu.dma_semaphore, #tpu.memory_space<semaphore_mem>>)
    %dma_wait3A_201 = arith.constant 4608 : i32
    %dma_wait3A_202 = tpu.memref_slice %arg5[%dma_wait3A_201] : memref<10240xi32, #tpu.memory_space<vmem>> -> memref<512xi32, #tpu.memory_space<vmem>>
    %dma_wait3A_203 = arith.constant 0 : i32
    %dma_wait3A_204 = arith.constant 0 : i32
    %dma_wait3A_205 = tpu.memref_slice %arg3[%dma_wait3A_203, %dma_wait3A_204] : memref<1000000x32xf32, #tpu.memory_space<hbm>> -> memref<1000000x32xf32, #tpu.memory_space<hbm>>
    tpu.wait_indirect_dma semaphore(%arg11 : memref<!tpu.dma_semaphore, #tpu.memory_space<semaphore_mem>>) src(%dma_wait3A_205 : memref<1000000x32xf32, #tpu.memory_space<hbm>>) dst(%arg7 : memref<512x32xf32, #tpu.memory_space<vmem>>)
    %add3A_206 = arith.constant 4608 : i32
    %add3A_207 = arith.addi %mul3A_2, %add3A_206 : i32
    %dma_start3A_208 = arith.constant 0 : i32
    %dma_start3A_209 = tpu.memref_slice %arg4[%add3A_207, %dma_start3A_208] : memref<327680x32xf32, #tpu.memory_space<hbm>> -> memref<512x32xf32, #tpu.memory_space<hbm>>
    %dma_start3A_210 = arith.constant 0 : i32
    %dma_start3A_211 = tpu.memref_slice %arg4[%add3A_207, %dma_start3A_210] : memref<327680x32xf32, #tpu.memory_space<hbm>> -> memref<512x32xf32, #tpu.memory_space<hbm>>
    tpu.enqueue_dma source(%arg7 : memref<512x32xf32, #tpu.memory_space<vmem>>) target(%dma_start3A_211 : memref<512x32xf32, #tpu.memory_space<hbm>>) target_semaphore(%arg15 : memref<!tpu.dma_semaphore, #tpu.memory_space<semaphore_mem>>)
    %dma_wait3A_212 = arith.constant 0 : i32
    %dma_wait3A_213 = tpu.memref_slice %arg4[%add3A_207, %dma_wait3A_212] : memref<327680x32xf32, #tpu.memory_space<hbm>> -> memref<512x32xf32, #tpu.memory_space<hbm>>
    %dma_wait3A_214 = arith.constant 0 : i32
    %dma_wait3A_215 = tpu.memref_slice %arg4[%add3A_207, %dma_wait3A_214] : memref<327680x32xf32, #tpu.memory_space<hbm>> -> memref<512x32xf32, #tpu.memory_space<hbm>>
    tpu.wait_dma2 semaphore(%arg15 : memref<!tpu.dma_semaphore, #tpu.memory_space<semaphore_mem>>) src(%arg7 : memref<512x32xf32, #tpu.memory_space<vmem>>) dst(%dma_wait3A_215 : memref<512x32xf32, #tpu.memory_space<hbm>>)
    %dma_start3A_216 = arith.constant 6656 : i32
    %dma_start3A_217 = tpu.memref_slice %arg5[%dma_start3A_216] : memref<10240xi32, #tpu.memory_space<vmem>> -> memref<512xi32, #tpu.memory_space<vmem>>
    %dma_start3A_218 = arith.constant 0 : i32
    %dma_start3A_219 = arith.constant 0 : i32
    %dma_start3A_220 = tpu.memref_slice %arg3[%dma_start3A_218, %dma_start3A_219] : memref<1000000x32xf32, #tpu.memory_space<hbm>> -> memref<1000000x32xf32, #tpu.memory_space<hbm>>
    tpu.enqueue_indirect_dma source(%dma_start3A_220 : memref<1000000x32xf32, #tpu.memory_space<hbm>>) target(%arg7 : memref<512x32xf32, #tpu.memory_space<vmem>>) offsets(%dma_start3A_217 : memref<512xi32, #tpu.memory_space<vmem>>) semaphore(%arg11 : memref<!tpu.dma_semaphore, #tpu.memory_space<semaphore_mem>>)
    %dma_wait3A_221 = arith.constant 5120 : i32
    %dma_wait3A_222 = tpu.memref_slice %arg5[%dma_wait3A_221] : memref<10240xi32, #tpu.memory_space<vmem>> -> memref<512xi32, #tpu.memory_space<vmem>>
    %dma_wait3A_223 = arith.constant 0 : i32
    %dma_wait3A_224 = arith.constant 0 : i32
    %dma_wait3A_225 = tpu.memref_slice %arg3[%dma_wait3A_223, %dma_wait3A_224] : memref<1000000x32xf32, #tpu.memory_space<hbm>> -> memref<1000000x32xf32, #tpu.memory_space<hbm>>
    tpu.wait_indirect_dma semaphore(%arg12 : memref<!tpu.dma_semaphore, #tpu.memory_space<semaphore_mem>>) src(%dma_wait3A_225 : memref<1000000x32xf32, #tpu.memory_space<hbm>>) dst(%arg8 : memref<512x32xf32, #tpu.memory_space<vmem>>)
    %add3A_226 = arith.constant 5120 : i32
    %add3A_227 = arith.addi %mul3A_2, %add3A_226 : i32
    %dma_start3A_228 = arith.constant 0 : i32
    %dma_start3A_229 = tpu.memref_slice %arg4[%add3A_227, %dma_start3A_228] : memref<327680x32xf32, #tpu.memory_space<hbm>> -> memref<512x32xf32, #tpu.memory_space<hbm>>
    %dma_start3A_230 = arith.constant 0 : i32
    %dma_start3A_231 = tpu.memref_slice %arg4[%add3A_227, %dma_start3A_230] : memref<327680x32xf32, #tpu.memory_space<hbm>> -> memref<512x32xf32, #tpu.memory_space<hbm>>
    tpu.enqueue_dma source(%arg8 : memref<512x32xf32, #tpu.memory_space<vmem>>) target(%dma_start3A_231 : memref<512x32xf32, #tpu.memory_space<hbm>>) target_semaphore(%arg16 : memref<!tpu.dma_semaphore, #tpu.memory_space<semaphore_mem>>)
    %dma_wait3A_232 = arith.constant 0 : i32
    %dma_wait3A_233 = tpu.memref_slice %arg4[%add3A_227, %dma_wait3A_232] : memref<327680x32xf32, #tpu.memory_space<hbm>> -> memref<512x32xf32, #tpu.memory_space<hbm>>
    %dma_wait3A_234 = arith.constant 0 : i32
    %dma_wait3A_235 = tpu.memref_slice %arg4[%add3A_227, %dma_wait3A_234] : memref<327680x32xf32, #tpu.memory_space<hbm>> -> memref<512x32xf32, #tpu.memory_space<hbm>>
    tpu.wait_dma2 semaphore(%arg16 : memref<!tpu.dma_semaphore, #tpu.memory_space<semaphore_mem>>) src(%arg8 : memref<512x32xf32, #tpu.memory_space<vmem>>) dst(%dma_wait3A_235 : memref<512x32xf32, #tpu.memory_space<hbm>>)
    %dma_start3A_236 = arith.constant 7168 : i32
    %dma_start3A_237 = tpu.memref_slice %arg5[%dma_start3A_236] : memref<10240xi32, #tpu.memory_space<vmem>> -> memref<512xi32, #tpu.memory_space<vmem>>
    %dma_start3A_238 = arith.constant 0 : i32
    %dma_start3A_239 = arith.constant 0 : i32
    %dma_start3A_240 = tpu.memref_slice %arg3[%dma_start3A_238, %dma_start3A_239] : memref<1000000x32xf32, #tpu.memory_space<hbm>> -> memref<1000000x32xf32, #tpu.memory_space<hbm>>
    tpu.enqueue_indirect_dma source(%dma_start3A_240 : memref<1000000x32xf32, #tpu.memory_space<hbm>>) target(%arg8 : memref<512x32xf32, #tpu.memory_space<vmem>>) offsets(%dma_start3A_237 : memref<512xi32, #tpu.memory_space<vmem>>) semaphore(%arg12 : memref<!tpu.dma_semaphore, #tpu.memory_space<semaphore_mem>>)
    %dma_wait3A_241 = arith.constant 5632 : i32
    %dma_wait3A_242 = tpu.memref_slice %arg5[%dma_wait3A_241] : memref<10240xi32, #tpu.memory_space<vmem>> -> memref<512xi32, #tpu.memory_space<vmem>>
    %dma_wait3A_243 = arith.constant 0 : i32
    %dma_wait3A_244 = arith.constant 0 : i32
    %dma_wait3A_245 = tpu.memref_slice %arg3[%dma_wait3A_243, %dma_wait3A_244] : memref<1000000x32xf32, #tpu.memory_space<hbm>> -> memref<1000000x32xf32, #tpu.memory_space<hbm>>
    tpu.wait_indirect_dma semaphore(%arg13 : memref<!tpu.dma_semaphore, #tpu.memory_space<semaphore_mem>>) src(%dma_wait3A_245 : memref<1000000x32xf32, #tpu.memory_space<hbm>>) dst(%arg9 : memref<512x32xf32, #tpu.memory_space<vmem>>)
    %add3A_246 = arith.constant 5632 : i32
    %add3A_247 = arith.addi %mul3A_2, %add3A_246 : i32
    %dma_start3A_248 = arith.constant 0 : i32
    %dma_start3A_249 = tpu.memref_slice %arg4[%add3A_247, %dma_start3A_248] : memref<327680x32xf32, #tpu.memory_space<hbm>> -> memref<512x32xf32, #tpu.memory_space<hbm>>
    %dma_start3A_250 = arith.constant 0 : i32
    %dma_start3A_251 = tpu.memref_slice %arg4[%add3A_247, %dma_start3A_250] : memref<327680x32xf32, #tpu.memory_space<hbm>> -> memref<512x32xf32, #tpu.memory_space<hbm>>
    tpu.enqueue_dma source(%arg9 : memref<512x32xf32, #tpu.memory_space<vmem>>) target(%dma_start3A_251 : memref<512x32xf32, #tpu.memory_space<hbm>>) target_semaphore(%arg17 : memref<!tpu.dma_semaphore, #tpu.memory_space<semaphore_mem>>)
    %dma_wait3A_252 = arith.constant 0 : i32
    %dma_wait3A_253 = tpu.memref_slice %arg4[%add3A_247, %dma_wait3A_252] : memref<327680x32xf32, #tpu.memory_space<hbm>> -> memref<512x32xf32, #tpu.memory_space<hbm>>
    %dma_wait3A_254 = arith.constant 0 : i32
    %dma_wait3A_255 = tpu.memref_slice %arg4[%add3A_247, %dma_wait3A_254] : memref<327680x32xf32, #tpu.memory_space<hbm>> -> memref<512x32xf32, #tpu.memory_space<hbm>>
    tpu.wait_dma2 semaphore(%arg17 : memref<!tpu.dma_semaphore, #tpu.memory_space<semaphore_mem>>) src(%arg9 : memref<512x32xf32, #tpu.memory_space<vmem>>) dst(%dma_wait3A_255 : memref<512x32xf32, #tpu.memory_space<hbm>>)
    %dma_start3A_256 = arith.constant 7680 : i32
    %dma_start3A_257 = tpu.memref_slice %arg5[%dma_start3A_256] : memref<10240xi32, #tpu.memory_space<vmem>> -> memref<512xi32, #tpu.memory_space<vmem>>
    %dma_start3A_258 = arith.constant 0 : i32
    %dma_start3A_259 = arith.constant 0 : i32
    %dma_start3A_260 = tpu.memref_slice %arg3[%dma_start3A_258, %dma_start3A_259] : memref<1000000x32xf32, #tpu.memory_space<hbm>> -> memref<1000000x32xf32, #tpu.memory_space<hbm>>
    tpu.enqueue_indirect_dma source(%dma_start3A_260 : memref<1000000x32xf32, #tpu.memory_space<hbm>>) target(%arg9 : memref<512x32xf32, #tpu.memory_space<vmem>>) offsets(%dma_start3A_257 : memref<512xi32, #tpu.memory_space<vmem>>) semaphore(%arg13 : memref<!tpu.dma_semaphore, #tpu.memory_space<semaphore_mem>>)
    %dma_wait3A_261 = arith.constant 6144 : i32
    %dma_wait3A_262 = tpu.memref_slice %arg5[%dma_wait3A_261] : memref<10240xi32, #tpu.memory_space<vmem>> -> memref<512xi32, #tpu.memory_space<vmem>>
    %dma_wait3A_263 = arith.constant 0 : i32
    %dma_wait3A_264 = arith.constant 0 : i32
    %dma_wait3A_265 = tpu.memref_slice %arg3[%dma_wait3A_263, %dma_wait3A_264] : memref<1000000x32xf32, #tpu.memory_space<hbm>> -> memref<1000000x32xf32, #tpu.memory_space<hbm>>
    tpu.wait_indirect_dma semaphore(%arg10 : memref<!tpu.dma_semaphore, #tpu.memory_space<semaphore_mem>>) src(%dma_wait3A_265 : memref<1000000x32xf32, #tpu.memory_space<hbm>>) dst(%arg6 : memref<512x32xf32, #tpu.memory_space<vmem>>)
    %add3A_266 = arith.constant 6144 : i32
    %add3A_267 = arith.addi %mul3A_2, %add3A_266 : i32
    %dma_start3A_268 = arith.constant 0 : i32
    %dma_start3A_269 = tpu.memref_slice %arg4[%add3A_267, %dma_start3A_268] : memref<327680x32xf32, #tpu.memory_space<hbm>> -> memref<512x32xf32, #tpu.memory_space<hbm>>
    %dma_start3A_270 = arith.constant 0 : i32
    %dma_start3A_271 = tpu.memref_slice %arg4[%add3A_267, %dma_start3A_270] : memref<327680x32xf32, #tpu.memory_space<hbm>> -> memref<512x32xf32, #tpu.memory_space<hbm>>
    tpu.enqueue_dma source(%arg6 : memref<512x32xf32, #tpu.memory_space<vmem>>) target(%dma_start3A_271 : memref<512x32xf32, #tpu.memory_space<hbm>>) target_semaphore(%arg14 : memref<!tpu.dma_semaphore, #tpu.memory_space<semaphore_mem>>)
    %dma_wait3A_272 = arith.constant 0 : i32
    %dma_wait3A_273 = tpu.memref_slice %arg4[%add3A_267, %dma_wait3A_272] : memref<327680x32xf32, #tpu.memory_space<hbm>> -> memref<512x32xf32, #tpu.memory_space<hbm>>
    %dma_wait3A_274 = arith.constant 0 : i32
    %dma_wait3A_275 = tpu.memref_slice %arg4[%add3A_267, %dma_wait3A_274] : memref<327680x32xf32, #tpu.memory_space<hbm>> -> memref<512x32xf32, #tpu.memory_space<hbm>>
    tpu.wait_dma2 semaphore(%arg14 : memref<!tpu.dma_semaphore, #tpu.memory_space<semaphore_mem>>) src(%arg6 : memref<512x32xf32, #tpu.memory_space<vmem>>) dst(%dma_wait3A_275 : memref<512x32xf32, #tpu.memory_space<hbm>>)
    %dma_start3A_276 = arith.constant 8192 : i32
    %dma_start3A_277 = tpu.memref_slice %arg5[%dma_start3A_276] : memref<10240xi32, #tpu.memory_space<vmem>> -> memref<512xi32, #tpu.memory_space<vmem>>
    %dma_start3A_278 = arith.constant 0 : i32
    %dma_start3A_279 = arith.constant 0 : i32
    %dma_start3A_280 = tpu.memref_slice %arg3[%dma_start3A_278, %dma_start3A_279] : memref<1000000x32xf32, #tpu.memory_space<hbm>> -> memref<1000000x32xf32, #tpu.memory_space<hbm>>
    tpu.enqueue_indirect_dma source(%dma_start3A_280 : memref<1000000x32xf32, #tpu.memory_space<hbm>>) target(%arg6 : memref<512x32xf32, #tpu.memory_space<vmem>>) offsets(%dma_start3A_277 : memref<512xi32, #tpu.memory_space<vmem>>) semaphore(%arg10 : memref<!tpu.dma_semaphore, #tpu.memory_space<semaphore_mem>>)
    %dma_wait3A_281 = arith.constant 6656 : i32
    %dma_wait3A_282 = tpu.memref_slice %arg5[%dma_wait3A_281] : memref<10240xi32, #tpu.memory_space<vmem>> -> memref<512xi32, #tpu.memory_space<vmem>>
    %dma_wait3A_283 = arith.constant 0 : i32
    %dma_wait3A_284 = arith.constant 0 : i32
    %dma_wait3A_285 = tpu.memref_slice %arg3[%dma_wait3A_283, %dma_wait3A_284] : memref<1000000x32xf32, #tpu.memory_space<hbm>> -> memref<1000000x32xf32, #tpu.memory_space<hbm>>
    tpu.wait_indirect_dma semaphore(%arg11 : memref<!tpu.dma_semaphore, #tpu.memory_space<semaphore_mem>>) src(%dma_wait3A_285 : memref<1000000x32xf32, #tpu.memory_space<hbm>>) dst(%arg7 : memref<512x32xf32, #tpu.memory_space<vmem>>)
    %add3A_286 = arith.constant 6656 : i32
    %add3A_287 = arith.addi %mul3A_2, %add3A_286 : i32
    %dma_start3A_288 = arith.constant 0 : i32
    %dma_start3A_289 = tpu.memref_slice %arg4[%add3A_287, %dma_start3A_288] : memref<327680x32xf32, #tpu.memory_space<hbm>> -> memref<512x32xf32, #tpu.memory_space<hbm>>
    %dma_start3A_290 = arith.constant 0 : i32
    %dma_start3A_291 = tpu.memref_slice %arg4[%add3A_287, %dma_start3A_290] : memref<327680x32xf32, #tpu.memory_space<hbm>> -> memref<512x32xf32, #tpu.memory_space<hbm>>
    tpu.enqueue_dma source(%arg7 : memref<512x32xf32, #tpu.memory_space<vmem>>) target(%dma_start3A_291 : memref<512x32xf32, #tpu.memory_space<hbm>>) target_semaphore(%arg15 : memref<!tpu.dma_semaphore, #tpu.memory_space<semaphore_mem>>)
    %dma_wait3A_292 = arith.constant 0 : i32
    %dma_wait3A_293 = tpu.memref_slice %arg4[%add3A_287, %dma_wait3A_292] : memref<327680x32xf32, #tpu.memory_space<hbm>> -> memref<512x32xf32, #tpu.memory_space<hbm>>
    %dma_wait3A_294 = arith.constant 0 : i32
    %dma_wait3A_295 = tpu.memref_slice %arg4[%add3A_287, %dma_wait3A_294] : memref<327680x32xf32, #tpu.memory_space<hbm>> -> memref<512x32xf32, #tpu.memory_space<hbm>>
    tpu.wait_dma2 semaphore(%arg15 : memref<!tpu.dma_semaphore, #tpu.memory_space<semaphore_mem>>) src(%arg7 : memref<512x32xf32, #tpu.memory_space<vmem>>) dst(%dma_wait3A_295 : memref<512x32xf32, #tpu.memory_space<hbm>>)
    %dma_start3A_296 = arith.constant 8704 : i32
    %dma_start3A_297 = tpu.memref_slice %arg5[%dma_start3A_296] : memref<10240xi32, #tpu.memory_space<vmem>> -> memref<512xi32, #tpu.memory_space<vmem>>
    %dma_start3A_298 = arith.constant 0 : i32
    %dma_start3A_299 = arith.constant 0 : i32
    %dma_start3A_300 = tpu.memref_slice %arg3[%dma_start3A_298, %dma_start3A_299] : memref<1000000x32xf32, #tpu.memory_space<hbm>> -> memref<1000000x32xf32, #tpu.memory_space<hbm>>
    tpu.enqueue_indirect_dma source(%dma_start3A_300 : memref<1000000x32xf32, #tpu.memory_space<hbm>>) target(%arg7 : memref<512x32xf32, #tpu.memory_space<vmem>>) offsets(%dma_start3A_297 : memref<512xi32, #tpu.memory_space<vmem>>) semaphore(%arg11 : memref<!tpu.dma_semaphore, #tpu.memory_space<semaphore_mem>>)
    %dma_wait3A_301 = arith.constant 7168 : i32
    %dma_wait3A_302 = tpu.memref_slice %arg5[%dma_wait3A_301] : memref<10240xi32, #tpu.memory_space<vmem>> -> memref<512xi32, #tpu.memory_space<vmem>>
    %dma_wait3A_303 = arith.constant 0 : i32
    %dma_wait3A_304 = arith.constant 0 : i32
    %dma_wait3A_305 = tpu.memref_slice %arg3[%dma_wait3A_303, %dma_wait3A_304] : memref<1000000x32xf32, #tpu.memory_space<hbm>> -> memref<1000000x32xf32, #tpu.memory_space<hbm>>
    tpu.wait_indirect_dma semaphore(%arg12 : memref<!tpu.dma_semaphore, #tpu.memory_space<semaphore_mem>>) src(%dma_wait3A_305 : memref<1000000x32xf32, #tpu.memory_space<hbm>>) dst(%arg8 : memref<512x32xf32, #tpu.memory_space<vmem>>)
    %add3A_306 = arith.constant 7168 : i32
    %add3A_307 = arith.addi %mul3A_2, %add3A_306 : i32
    %dma_start3A_308 = arith.constant 0 : i32
    %dma_start3A_309 = tpu.memref_slice %arg4[%add3A_307, %dma_start3A_308] : memref<327680x32xf32, #tpu.memory_space<hbm>> -> memref<512x32xf32, #tpu.memory_space<hbm>>
    %dma_start3A_310 = arith.constant 0 : i32
    %dma_start3A_311 = tpu.memref_slice %arg4[%add3A_307, %dma_start3A_310] : memref<327680x32xf32, #tpu.memory_space<hbm>> -> memref<512x32xf32, #tpu.memory_space<hbm>>
    tpu.enqueue_dma source(%arg8 : memref<512x32xf32, #tpu.memory_space<vmem>>) target(%dma_start3A_311 : memref<512x32xf32, #tpu.memory_space<hbm>>) target_semaphore(%arg16 : memref<!tpu.dma_semaphore, #tpu.memory_space<semaphore_mem>>)
    %dma_wait3A_312 = arith.constant 0 : i32
    %dma_wait3A_313 = tpu.memref_slice %arg4[%add3A_307, %dma_wait3A_312] : memref<327680x32xf32, #tpu.memory_space<hbm>> -> memref<512x32xf32, #tpu.memory_space<hbm>>
    %dma_wait3A_314 = arith.constant 0 : i32
    %dma_wait3A_315 = tpu.memref_slice %arg4[%add3A_307, %dma_wait3A_314] : memref<327680x32xf32, #tpu.memory_space<hbm>> -> memref<512x32xf32, #tpu.memory_space<hbm>>
    tpu.wait_dma2 semaphore(%arg16 : memref<!tpu.dma_semaphore, #tpu.memory_space<semaphore_mem>>) src(%arg8 : memref<512x32xf32, #tpu.memory_space<vmem>>) dst(%dma_wait3A_315 : memref<512x32xf32, #tpu.memory_space<hbm>>)
    %dma_start3A_316 = arith.constant 9216 : i32
    %dma_start3A_317 = tpu.memref_slice %arg5[%dma_start3A_316] : memref<10240xi32, #tpu.memory_space<vmem>> -> memref<512xi32, #tpu.memory_space<vmem>>
    %dma_start3A_318 = arith.constant 0 : i32
    %dma_start3A_319 = arith.constant 0 : i32
    %dma_start3A_320 = tpu.memref_slice %arg3[%dma_start3A_318, %dma_start3A_319] : memref<1000000x32xf32, #tpu.memory_space<hbm>> -> memref<1000000x32xf32, #tpu.memory_space<hbm>>
    tpu.enqueue_indirect_dma source(%dma_start3A_320 : memref<1000000x32xf32, #tpu.memory_space<hbm>>) target(%arg8 : memref<512x32xf32, #tpu.memory_space<vmem>>) offsets(%dma_start3A_317 : memref<512xi32, #tpu.memory_space<vmem>>) semaphore(%arg12 : memref<!tpu.dma_semaphore, #tpu.memory_space<semaphore_mem>>)
    %dma_wait3A_321 = arith.constant 7680 : i32
    %dma_wait3A_322 = tpu.memref_slice %arg5[%dma_wait3A_321] : memref<10240xi32, #tpu.memory_space<vmem>> -> memref<512xi32, #tpu.memory_space<vmem>>
    %dma_wait3A_323 = arith.constant 0 : i32
    %dma_wait3A_324 = arith.constant 0 : i32
    %dma_wait3A_325 = tpu.memref_slice %arg3[%dma_wait3A_323, %dma_wait3A_324] : memref<1000000x32xf32, #tpu.memory_space<hbm>> -> memref<1000000x32xf32, #tpu.memory_space<hbm>>
    tpu.wait_indirect_dma semaphore(%arg13 : memref<!tpu.dma_semaphore, #tpu.memory_space<semaphore_mem>>) src(%dma_wait3A_325 : memref<1000000x32xf32, #tpu.memory_space<hbm>>) dst(%arg9 : memref<512x32xf32, #tpu.memory_space<vmem>>)
    %add3A_326 = arith.constant 7680 : i32
    %add3A_327 = arith.addi %mul3A_2, %add3A_326 : i32
    %dma_start3A_328 = arith.constant 0 : i32
    %dma_start3A_329 = tpu.memref_slice %arg4[%add3A_327, %dma_start3A_328] : memref<327680x32xf32, #tpu.memory_space<hbm>> -> memref<512x32xf32, #tpu.memory_space<hbm>>
    %dma_start3A_330 = arith.constant 0 : i32
    %dma_start3A_331 = tpu.memref_slice %arg4[%add3A_327, %dma_start3A_330] : memref<327680x32xf32, #tpu.memory_space<hbm>> -> memref<512x32xf32, #tpu.memory_space<hbm>>
    tpu.enqueue_dma source(%arg9 : memref<512x32xf32, #tpu.memory_space<vmem>>) target(%dma_start3A_331 : memref<512x32xf32, #tpu.memory_space<hbm>>) target_semaphore(%arg17 : memref<!tpu.dma_semaphore, #tpu.memory_space<semaphore_mem>>)
    %dma_wait3A_332 = arith.constant 0 : i32
    %dma_wait3A_333 = tpu.memref_slice %arg4[%add3A_327, %dma_wait3A_332] : memref<327680x32xf32, #tpu.memory_space<hbm>> -> memref<512x32xf32, #tpu.memory_space<hbm>>
    %dma_wait3A_334 = arith.constant 0 : i32
    %dma_wait3A_335 = tpu.memref_slice %arg4[%add3A_327, %dma_wait3A_334] : memref<327680x32xf32, #tpu.memory_space<hbm>> -> memref<512x32xf32, #tpu.memory_space<hbm>>
    tpu.wait_dma2 semaphore(%arg17 : memref<!tpu.dma_semaphore, #tpu.memory_space<semaphore_mem>>) src(%arg9 : memref<512x32xf32, #tpu.memory_space<vmem>>) dst(%dma_wait3A_335 : memref<512x32xf32, #tpu.memory_space<hbm>>)
    %dma_start3A_336 = arith.constant 9728 : i32
    %dma_start3A_337 = tpu.memref_slice %arg5[%dma_start3A_336] : memref<10240xi32, #tpu.memory_space<vmem>> -> memref<512xi32, #tpu.memory_space<vmem>>
    %dma_start3A_338 = arith.constant 0 : i32
    %dma_start3A_339 = arith.constant 0 : i32
    %dma_start3A_340 = tpu.memref_slice %arg3[%dma_start3A_338, %dma_start3A_339] : memref<1000000x32xf32, #tpu.memory_space<hbm>> -> memref<1000000x32xf32, #tpu.memory_space<hbm>>
    tpu.enqueue_indirect_dma source(%dma_start3A_340 : memref<1000000x32xf32, #tpu.memory_space<hbm>>) target(%arg9 : memref<512x32xf32, #tpu.memory_space<vmem>>) offsets(%dma_start3A_337 : memref<512xi32, #tpu.memory_space<vmem>>) semaphore(%arg13 : memref<!tpu.dma_semaphore, #tpu.memory_space<semaphore_mem>>)
    %dma_wait3A_341 = arith.constant 8192 : i32
    %dma_wait3A_342 = tpu.memref_slice %arg5[%dma_wait3A_341] : memref<10240xi32, #tpu.memory_space<vmem>> -> memref<512xi32, #tpu.memory_space<vmem>>
    %dma_wait3A_343 = arith.constant 0 : i32
    %dma_wait3A_344 = arith.constant 0 : i32
    %dma_wait3A_345 = tpu.memref_slice %arg3[%dma_wait3A_343, %dma_wait3A_344] : memref<1000000x32xf32, #tpu.memory_space<hbm>> -> memref<1000000x32xf32, #tpu.memory_space<hbm>>
    tpu.wait_indirect_dma semaphore(%arg10 : memref<!tpu.dma_semaphore, #tpu.memory_space<semaphore_mem>>) src(%dma_wait3A_345 : memref<1000000x32xf32, #tpu.memory_space<hbm>>) dst(%arg6 : memref<512x32xf32, #tpu.memory_space<vmem>>)
    %add3A_346 = arith.constant 8192 : i32
    %add3A_347 = arith.addi %mul3A_2, %add3A_346 : i32
    %dma_start3A_348 = arith.constant 0 : i32
    %dma_start3A_349 = tpu.memref_slice %arg4[%add3A_347, %dma_start3A_348] : memref<327680x32xf32, #tpu.memory_space<hbm>> -> memref<512x32xf32, #tpu.memory_space<hbm>>
    %dma_start3A_350 = arith.constant 0 : i32
    %dma_start3A_351 = tpu.memref_slice %arg4[%add3A_347, %dma_start3A_350] : memref<327680x32xf32, #tpu.memory_space<hbm>> -> memref<512x32xf32, #tpu.memory_space<hbm>>
    tpu.enqueue_dma source(%arg6 : memref<512x32xf32, #tpu.memory_space<vmem>>) target(%dma_start3A_351 : memref<512x32xf32, #tpu.memory_space<hbm>>) target_semaphore(%arg14 : memref<!tpu.dma_semaphore, #tpu.memory_space<semaphore_mem>>)
    %dma_wait3A_352 = arith.constant 0 : i32
    %dma_wait3A_353 = tpu.memref_slice %arg4[%add3A_347, %dma_wait3A_352] : memref<327680x32xf32, #tpu.memory_space<hbm>> -> memref<512x32xf32, #tpu.memory_space<hbm>>
    %dma_wait3A_354 = arith.constant 0 : i32
    %dma_wait3A_355 = tpu.memref_slice %arg4[%add3A_347, %dma_wait3A_354] : memref<327680x32xf32, #tpu.memory_space<hbm>> -> memref<512x32xf32, #tpu.memory_space<hbm>>
    tpu.wait_dma2 semaphore(%arg14 : memref<!tpu.dma_semaphore, #tpu.memory_space<semaphore_mem>>) src(%arg6 : memref<512x32xf32, #tpu.memory_space<vmem>>) dst(%dma_wait3A_355 : memref<512x32xf32, #tpu.memory_space<hbm>>)
    %dma_wait3A_356 = arith.constant 8704 : i32
    %dma_wait3A_357 = tpu.memref_slice %arg5[%dma_wait3A_356] : memref<10240xi32, #tpu.memory_space<vmem>> -> memref<512xi32, #tpu.memory_space<vmem>>
    %dma_wait3A_358 = arith.constant 0 : i32
    %dma_wait3A_359 = arith.constant 0 : i32
    %dma_wait3A_360 = tpu.memref_slice %arg3[%dma_wait3A_358, %dma_wait3A_359] : memref<1000000x32xf32, #tpu.memory_space<hbm>> -> memref<1000000x32xf32, #tpu.memory_space<hbm>>
    tpu.wait_indirect_dma semaphore(%arg11 : memref<!tpu.dma_semaphore, #tpu.memory_space<semaphore_mem>>) src(%dma_wait3A_360 : memref<1000000x32xf32, #tpu.memory_space<hbm>>) dst(%arg7 : memref<512x32xf32, #tpu.memory_space<vmem>>)
    %add3A_361 = arith.constant 8704 : i32
    %add3A_362 = arith.addi %mul3A_2, %add3A_361 : i32
    %dma_start3A_363 = arith.constant 0 : i32
    %dma_start3A_364 = tpu.memref_slice %arg4[%add3A_362, %dma_start3A_363] : memref<327680x32xf32, #tpu.memory_space<hbm>> -> memref<512x32xf32, #tpu.memory_space<hbm>>
    %dma_start3A_365 = arith.constant 0 : i32
    %dma_start3A_366 = tpu.memref_slice %arg4[%add3A_362, %dma_start3A_365] : memref<327680x32xf32, #tpu.memory_space<hbm>> -> memref<512x32xf32, #tpu.memory_space<hbm>>
    tpu.enqueue_dma source(%arg7 : memref<512x32xf32, #tpu.memory_space<vmem>>) target(%dma_start3A_366 : memref<512x32xf32, #tpu.memory_space<hbm>>) target_semaphore(%arg15 : memref<!tpu.dma_semaphore, #tpu.memory_space<semaphore_mem>>)
    %dma_wait3A_367 = arith.constant 0 : i32
    %dma_wait3A_368 = tpu.memref_slice %arg4[%add3A_362, %dma_wait3A_367] : memref<327680x32xf32, #tpu.memory_space<hbm>> -> memref<512x32xf32, #tpu.memory_space<hbm>>
    %dma_wait3A_369 = arith.constant 0 : i32
    %dma_wait3A_370 = tpu.memref_slice %arg4[%add3A_362, %dma_wait3A_369] : memref<327680x32xf32, #tpu.memory_space<hbm>> -> memref<512x32xf32, #tpu.memory_space<hbm>>
    tpu.wait_dma2 semaphore(%arg15 : memref<!tpu.dma_semaphore, #tpu.memory_space<semaphore_mem>>) src(%arg7 : memref<512x32xf32, #tpu.memory_space<vmem>>) dst(%dma_wait3A_370 : memref<512x32xf32, #tpu.memory_space<hbm>>)
    %dma_wait3A_371 = arith.constant 9216 : i32
    %dma_wait3A_372 = tpu.memref_slice %arg5[%dma_wait3A_371] : memref<10240xi32, #tpu.memory_space<vmem>> -> memref<512xi32, #tpu.memory_space<vmem>>
    %dma_wait3A_373 = arith.constant 0 : i32
    %dma_wait3A_374 = arith.constant 0 : i32
    %dma_wait3A_375 = tpu.memref_slice %arg3[%dma_wait3A_373, %dma_wait3A_374] : memref<1000000x32xf32, #tpu.memory_space<hbm>> -> memref<1000000x32xf32, #tpu.memory_space<hbm>>
    tpu.wait_indirect_dma semaphore(%arg12 : memref<!tpu.dma_semaphore, #tpu.memory_space<semaphore_mem>>) src(%dma_wait3A_375 : memref<1000000x32xf32, #tpu.memory_space<hbm>>) dst(%arg8 : memref<512x32xf32, #tpu.memory_space<vmem>>)
    %add3A_376 = arith.constant 9216 : i32
    %add3A_377 = arith.addi %mul3A_2, %add3A_376 : i32
    %dma_start3A_378 = arith.constant 0 : i32
    %dma_start3A_379 = tpu.memref_slice %arg4[%add3A_377, %dma_start3A_378] : memref<327680x32xf32, #tpu.memory_space<hbm>> -> memref<512x32xf32, #tpu.memory_space<hbm>>
    %dma_start3A_380 = arith.constant 0 : i32
    %dma_start3A_381 = tpu.memref_slice %arg4[%add3A_377, %dma_start3A_380] : memref<327680x32xf32, #tpu.memory_space<hbm>> -> memref<512x32xf32, #tpu.memory_space<hbm>>
    tpu.enqueue_dma source(%arg8 : memref<512x32xf32, #tpu.memory_space<vmem>>) target(%dma_start3A_381 : memref<512x32xf32, #tpu.memory_space<hbm>>) target_semaphore(%arg16 : memref<!tpu.dma_semaphore, #tpu.memory_space<semaphore_mem>>)
    %dma_wait3A_382 = arith.constant 0 : i32
    %dma_wait3A_383 = tpu.memref_slice %arg4[%add3A_377, %dma_wait3A_382] : memref<327680x32xf32, #tpu.memory_space<hbm>> -> memref<512x32xf32, #tpu.memory_space<hbm>>
    %dma_wait3A_384 = arith.constant 0 : i32
    %dma_wait3A_385 = tpu.memref_slice %arg4[%add3A_377, %dma_wait3A_384] : memref<327680x32xf32, #tpu.memory_space<hbm>> -> memref<512x32xf32, #tpu.memory_space<hbm>>
    tpu.wait_dma2 semaphore(%arg16 : memref<!tpu.dma_semaphore, #tpu.memory_space<semaphore_mem>>) src(%arg8 : memref<512x32xf32, #tpu.memory_space<vmem>>) dst(%dma_wait3A_385 : memref<512x32xf32, #tpu.memory_space<hbm>>)
    %dma_wait3A_386 = arith.constant 9728 : i32
    %dma_wait3A_387 = tpu.memref_slice %arg5[%dma_wait3A_386] : memref<10240xi32, #tpu.memory_space<vmem>> -> memref<512xi32, #tpu.memory_space<vmem>>
    %dma_wait3A_388 = arith.constant 0 : i32
    %dma_wait3A_389 = arith.constant 0 : i32
    %dma_wait3A_390 = tpu.memref_slice %arg3[%dma_wait3A_388, %dma_wait3A_389] : memref<1000000x32xf32, #tpu.memory_space<hbm>> -> memref<1000000x32xf32, #tpu.memory_space<hbm>>
    tpu.wait_indirect_dma semaphore(%arg13 : memref<!tpu.dma_semaphore, #tpu.memory_space<semaphore_mem>>) src(%dma_wait3A_390 : memref<1000000x32xf32, #tpu.memory_space<hbm>>) dst(%arg9 : memref<512x32xf32, #tpu.memory_space<vmem>>)
    %add3A_391 = arith.constant 9728 : i32
    %add3A_392 = arith.addi %mul3A_2, %add3A_391 : i32
    %dma_start3A_393 = arith.constant 0 : i32
    %dma_start3A_394 = tpu.memref_slice %arg4[%add3A_392, %dma_start3A_393] : memref<327680x32xf32, #tpu.memory_space<hbm>> -> memref<512x32xf32, #tpu.memory_space<hbm>>
    %dma_start3A_395 = arith.constant 0 : i32
    %dma_start3A_396 = tpu.memref_slice %arg4[%add3A_392, %dma_start3A_395] : memref<327680x32xf32, #tpu.memory_space<hbm>> -> memref<512x32xf32, #tpu.memory_space<hbm>>
    tpu.enqueue_dma source(%arg9 : memref<512x32xf32, #tpu.memory_space<vmem>>) target(%dma_start3A_396 : memref<512x32xf32, #tpu.memory_space<hbm>>) target_semaphore(%arg17 : memref<!tpu.dma_semaphore, #tpu.memory_space<semaphore_mem>>)
    %dma_wait3A_397 = arith.constant 0 : i32
    %dma_wait3A_398 = tpu.memref_slice %arg4[%add3A_392, %dma_wait3A_397] : memref<327680x32xf32, #tpu.memory_space<hbm>> -> memref<512x32xf32, #tpu.memory_space<hbm>>
    %dma_wait3A_399 = arith.constant 0 : i32
    %dma_wait3A_400 = tpu.memref_slice %arg4[%add3A_392, %dma_wait3A_399] : memref<327680x32xf32, #tpu.memory_space<hbm>> -> memref<512x32xf32, #tpu.memory_space<hbm>>
    tpu.wait_dma2 semaphore(%arg17 : memref<!tpu.dma_semaphore, #tpu.memory_space<semaphore_mem>>) src(%arg9 : memref<512x32xf32, #tpu.memory_space<vmem>>) dst(%dma_wait3A_400 : memref<512x32xf32, #tpu.memory_space<hbm>>)
    return
  }
}

</mosaic_0001>

<sc_bundles>
// kernel: kernel.3.cloned.1.call-start
scs
__scs_entry_jumppad:
0x0: {  	(pc) =	sbr.rel $0x88, $3  }
0x1: {  	(tag) =	ssettag $0x0;
	lr =	simm.s32 $0x1  }
0x2: {  	[smem:$0x3F9F] =	sst lr;
	_ =	strace $0xD0000000  }
0x3: {  	_ = 	snop  }
0x4: {  	_ = 	snop  }
0x5: {  	_ = 	snop  }
0x6: {  	_ = 	snop  }
0x7: {  	_ = 	snop  }
__scs_overlays_trampoline_lowered:
0x8: {  	[smem:$0x3FAE] =	sst s0  }
0x9: {  	[smem:$0x3FAF] =	sst s1  }
0xa: {  	[smem:$0x3FB0] =	sst s2  }
0xb: {  	[smem:$0x3FB1] =	sst s3  }
0xc: {  	[smem:$0x3FB2] =	sst s4  }
0xd: {  	[smem:$0x3FB3] =	sst s5  }
0xe: {  	[smem:$0x3FB4] =	sst s6  }
0xf: {  	[smem:$0x3FB5] =	sst s7  }
0x10: {  	[smem:$0x3FB6] =	sst s8  }
0x11: {  	[smem:$0x3FB7] =	sst s9;
	s0 =	simm.s32 @!p0 $0x0  }
0x12: {  	s1 =	sld [smem:$0x3F9D];
	s0 =	simm.s32 @p0 $0x1  }
0x13: {  	[smem:$0x3FB8] =	sst s0;
	s0 =	simm.s32 @!p1 $0x0  }
0x14: {  	s2 =	sld [smem:$0x3F9C];
	s0 =	simm.s32 @p1 $0x1  }
0x15: {  	[smem:$0x3FB9] =	sst s0;
	s0 =	simm.s32 @!p2 $0x0  }
0x16: {  	s3 =	sld [smem:$0x3FDB];
	s0 =	simm.s32 @p2 $0x1  }
0x17: {  	s4 =	simm.s32 $0x1BF5;
	[smem:$0x3FBB] =	sst s0  }
0x18: {  	s0 =	sld [smem:$0x3F9E];
	_ =	swait.ge [sflag:s4], $0x0  }
0x19: {  	s7 =	sld [smem:$0x3F9F]  }
0x1a: {  	s8 =	sadd.s32 $0xFFFFE003, lr  }
0x1b: {  	s9 =	sadd.s32 $0xFFFFFEF7, lr;
	s5 =	simm.s32 $0xFFFFFFFF;
	p2 =	slt.u32 s8, $0xFFFFF086  }
0x1c: {  	p1 =	slt.u32 s9, $0xF7A;
	s5 =	simm.s32 @!p2 $0x0  }
0x1d: {  	s5 =	simm.s32 @p1 $0x1;
	p0 =	seq.s32 s7, s2  }
0x1e: {  	s7 =	smul.u32 @!p0 $0xF7A, s2;
	p2 =	seq.s32 @!p0 s5, $0x0  }
0x1f: {  	s9 =	smul.u32 $0xF7A, s1;
	s8 =	simm.s32 @!p0 $0x1BF5;
	p2 =	por !p2, p0  }
0x20: {  	[sflag:s8] =	ssyncset.s32 @!p0 $0xFFFFF086;
	s6 =	sadd.s32 @!p0 s3, s7;
	s7 =	simm.s32 @!p0 $0x108  }
0x21: {  	s3 =	sadd.s32 s3, s9;
	s6 =	sadd.s32 @!p0 $0x88, s6;
	s7 =	simm.s32 @p2 $0x1082  }
0x22: {  	[simem:s7], [sflag:s8] =	dma.local @!p0 [hbm:s6], $0xF7A  }
0x23: {  	s9 =	sor.u32 $0xD0000000, s2;
	s6 =	simm.s32 $0x108;
	_ =	swait.ge @!p0 [sflag:s8], $0x0  }
0x24: {  	s3 =	sadd.s32 $0x88, s3;
	s6 =	simm.s32 @!p1 $0x1082;
	[sflag:s4] =	ssyncset.s32 $0xFFFFF086  }
0x25: {  	[simem:s6], [sflag:s4] =	dma.local [hbm:s3], $0xF7A  }
0x26: {  	[smem:$0x3F9F] =	sst s1;
	(tag) =	ssettag s2;
	_ =	strace s9  }
0x27: {  	s1 =	sld [smem:$0x3FAF]  }
0x28: {  	s2 =	sld [smem:$0x3FB0]  }
0x29: {  	s4 =	sld [smem:$0x3FB2]  }
0x2a: {  	p0 =	seq.s32 s5, $0x0;
	s5 =	sld [smem:$0x3FB3]  }
0x2b: {  	s6 =	sld [smem:$0x3FB4]  }
0x2c: {  	s7 =	sld [smem:$0x3FB5]  }
0x2d: {  	s3 =	simm.s32 $0x108;
	s8 =	sld [smem:$0x3FB6]  }
0x2e: {  	s3 =	simm.s32 @!p0 $0x1082;
	s9 =	sld [smem:$0x3FB7]  }
0x2f: {  	lr =	sadd.s32 s0, s3;
	s0 =	sld [smem:$0x3FAE]  }
0x30: {  	s3 =	sld [smem:$0x3FB1]  }
0x31: {  	[smem:$0x3FBA] =	sst s10  }
0x32: {  	s10 =	sld [smem:$0x3FB8];
	_ =	sdelay $0x3  }
0x33: {  	p0 =	seq.s32 s10, $0x1;
	s10 =	sld [smem:$0x3FBA];
	_ =	sdelay $0x3  }
0x34: {  	[smem:$0x3FBA] =	sst s10  }
0x35: {  	s10 =	sld [smem:$0x3FB9];
	_ =	sdelay $0x3  }
0x36: {  	p1 =	seq.s32 s10, $0x1;
	s10 =	sld [smem:$0x3FBA];
	_ =	sdelay $0x3  }
0x37: {  	[smem:$0x3FBA] =	sst s10  }
0x38: {  	s10 =	sld [smem:$0x3FBB]  }
0x39: {  	_ = 	snop;
	(pc) =	sbr.ind lr, $3  }
0x3a: {  	_ = 	snop  }
0x3b: {  	_ = 	snop  }
0x3c: {  	p2 =	seq.s32 s10, $0x1;
	s10 =	sld [smem:$0x3FBA]  }
0x3d: {  	_ =	shalt  }
0x3e: {  	_ =	shalt  }
0x3f: {  	_ =	shalt  }
0x40: {  	_ =	shalt  }
0x41: {  	_ =	shalt  }
0x42: {  	_ =	shalt  }
0x43: {  	_ =	shalt  }
0x44: {  	_ =	shalt  }
0x45: {  	_ =	shalt  }
0x46: {  	_ =	shalt  }
0x47: {  	_ =	shalt  }
0x48: {  	_ =	shalt  }
0x49: {  	_ =	shalt  }
0x4a: {  	_ =	shalt  }
0x4b: {  	_ =	shalt  }
0x4c: {  	_ =	shalt  }
0x4d: {  	_ =	shalt  }
0x4e: {  	_ =	shalt  }
0x4f: {  	_ =	shalt  }
0x50: {  	_ =	shalt  }
0x51: {  	_ =	shalt  }
0x52: {  	_ =	shalt  }
0x53: {  	_ =	shalt  }
0x54: {  	_ =	shalt  }
0x55: {  	_ =	shalt  }
0x56: {  	_ =	shalt  }
0x57: {  	_ =	shalt  }
0x58: {  	_ =	shalt  }
0x59: {  	_ =	shalt  }
0x5a: {  	_ =	shalt  }
0x5b: {  	_ =	shalt  }
0x5c: {  	_ =	shalt  }
0x5d: {  	_ =	shalt  }
0x5e: {  	_ =	shalt  }
0x5f: {  	_ =	shalt  }
0x60: {  	_ =	shalt  }
0x61: {  	_ =	shalt  }
0x62: {  	_ =	shalt  }
0x63: {  	_ =	shalt  }
0x64: {  	_ =	shalt  }
0x65: {  	_ =	shalt  }
0x66: {  	_ =	shalt  }
0x67: {  	_ =	shalt  }
0x68: {  	_ =	shalt  }
0x69: {  	_ =	shalt  }
0x6a: {  	_ =	shalt  }
0x6b: {  	_ =	shalt  }
0x6c: {  	_ =	shalt  }
0x6d: {  	_ =	shalt  }
0x6e: {  	_ =	shalt  }
0x6f: {  	_ =	shalt  }
0x70: {  	_ =	shalt  }
0x71: {  	_ =	shalt  }
0x72: {  	_ =	shalt  }
0x73: {  	_ =	shalt  }
0x74: {  	_ =	shalt  }
0x75: {  	_ =	shalt  }
0x76: {  	_ =	shalt  }
0x77: {  	_ =	shalt  }
0x78: {  	_ =	shalt  }
0x79: {  	_ =	shalt  }
0x7a: {  	_ =	shalt  }
0x7b: {  	_ =	shalt  }
0x7c: {  	_ =	shalt  }
0x7d: {  	_ =	shalt  }
0x7e: {  	_ =	shalt  }
0x7f: {  	_ =	shalt  }
0x80: {  	_ =	shalt  }
0x81: {  	_ =	shalt  }
0x82: {  	_ =	shalt  }
0x83: {  	_ =	shalt  }
0x84: {  	_ =	shalt  }
0x85: {  	_ =	shalt  }
0x86: {  	_ =	shalt  }
0x87: {  	_ =	shalt  }
.Lfunc_end0:
.L_simem_size_0:
called_computation.1_lowered:
.L_overlay_start_0:
0x88: {  	s2 =	sld [smem:$0x3FD9]  }
0x89: {  	s3 =	sld [smem:$0x3FFE];
	_ =	sdelay $0x1  }
0x8a: {  	s1 =	srdreg.scid  }
0x8b: {  	s0 =	sand.u32 $0x1, s1  }
0x8c: {  	s14 =	sshll.u32 s0, $0xA;
	s2 =	sadd.s32 s3, s2  }
0x8d: {  	s2 =	sadd.s32 s2, s14  }
0x8e: {  	[smem:$0x3FC6] =	sst s2  }
0x8f: {  	_ = 	snop  }
0x90: {  	s2 =	sld [smem:$0x3FD0];
	_ =	sdelay $0x2  }
0x91: {  	s15 =	simm.s32 $0xA;
	s4 =	simm.s32 $0x10  }
0x92: {  	[smem:s4], [sflag:s15] =	dma.local [hbm:s2], $0x1  }
0x93: {  	_ =	swait.eq [sflag:s15], $0x1  }
0x94: {  	[sflag:s15] =	ssyncset.done $0x0  }
0x95: {  	s16 =	sld [smem:$0x10];
	[sflag:s15] =	ssyncadd.s32 $0xFFFFFFFF  }
0x96: {  	s17 =	sld [smem:$0x11];
	(tm) =	ssettm $0x1  }
0x97: {  	s18 =	sld [smem:$0x3FFB];
	_ =	sdelay $0x3  }
0x98: {  	_ =	strace s18  }
0x99: {  	s4 =	sld [smem:$0x3FFC];
	_ =	sdelay $0x3  }
0x9a: {  	_ =	strace s4  }
0x9b: {  	s4 =	sld [smem:$0x3FFD];
	_ =	sdelay $0x3  }
0x9c: {  	_ =	strace s4  }
0x9d: {  	_ =	strace $0x8FFFFFFF  }
0x9e: {  	s19 =	sld [smem:$0x3FDB];
	_ =	sdelay $0x1  }
0x9f: {  	s5 =	simm.s32 $_scs_section_size  }
0xa0: {  	s6 =	simm.s32 $_size__tile_overlayer_lowered;
	s7 =	simm.s32 $_tile_overlayer_lowered  }
0xa1: {  	s22 =	simm.s32 $0x1BFF;
	s21 =	sshll.u32 s7, $0x1;
	s4 =	sadd.s32 s5, s19  }
0xa2: {  	s8 =	simm.s32 $0x0;
	s20 =	sshll.u32 s6, $0x1;
	s6 =	sadd.s32 s21, s4  }
0xa3: {  	[timem:s8], [sflag:s22] =	dma.local [hbm:s6], s20  }
0xa4: {  	_ =	swait.ge [sflag:s22], s20  }
0xa5: {  	s5 =	ssub.s32 $0x0, s20;
	[sflag:s22] =	ssyncset.done $0x0  }
0xa6: {  	[sflag:s22] =	ssyncadd.s32 s5;
	_ =	sdelay $0x1  }
0xa7: {  	s23 =	simm.s32 $0x1B8B  }
0xa8: {  	_ =	swait.ge [sflag:s23], $0x1  }
0xa9: {  	[sflag:s23] =	ssyncset.done $0x0  }
0xaa: {  	s25 =	simm.s32 $0x1B8E;
	s24 =	sld [smem:$0x3FFE];
	[sflag:s23] =	ssyncadd.s32 $0xFFFFFFFF  }
0xab: {  	s26 =	simm.s32 $execute0_lowered;
	[smem:$0x3FD2] =	sst s25  }
0xac: {  	s6 =	sshll.u32 s26, $0x1;
	_ =	strace $0x80000046;
	[dreg:$0x1] =	wrdreg $0xFFFFFFFF  }
0xad: {  	s28 =	simm.s32 $_size_execute0_lowered;
	s4 =	sadd.s32 s4, s6;
	[dreg:$0x0] =	wrdreg $0x0  }
0xae: {  	s6 =	sshll.u32 s28, $0x1;
	[dreg:$0x2] =	wrdreg s4  }
0xaf: {  	[dreg:$0x3] =	wrdreg s6  }
0xb0: {  	[dreg:$0x4] =	wrdreg $0xC0  }
0xb1: {  	_ =	task [dreg:s8], $0x5FFFF  }
0xb2: {  	[dreg:$0x1] =	wrdreg $0xFFFFFFFF  }
0xb3: {  	[dreg:$0x0] =	wrdreg $0x60  }
0xb4: {  	[dreg:$0x2] =	wrdreg s24  }
0xb5: {  	[dreg:$0x3] =	wrdreg s17  }
0xb6: {  	[dreg:$0x4] =	wrdreg s16  }
0xb7: {  	[dreg:$0x5] =	wrdreg $0x9  }
0xb8: {  	_ =	task.clear_ibuf [dreg:s8], $0x6FFFF;
	_ =	strace $0x90000046  }
0xb9: {  	s29 =	simm.s32 $0x9;
	_ =	strace $0x80000048  }
0xba: {  	_ =	swait.ge [sflag:s29], $0x1  }
0xbb: {  	[sflag:s29] =	ssyncadd.s32 $0xFFFFFFFF  }
0xbc: {  	_ =	strace $0x90000048  }
0xbd: {  	_ =	sfence  }
0xbe: {  	s30 =	sld [smem:$0x0];
	_ =	sdelay $0x2  }
0xbf: {  	s31 =	sshll.u32 s1, $0xD;
	s1 =	sshrl.u32 s1, $0x2  }
0xc0: {  	s3 =	sand.u32 $0x4000, s31;
	s1 =	sadd.s32 s1, s30  }
0xc1: {  	s0 =	sor.u32 s3, s0;
	s1 =	sshll.u32 s1, $0x11  }
0xc2: {  	s0 =	sor.u32 s1, s0  }
0xc3: {  	s0 =	sadd.s32 $0x8F2B, s0  }
0xc4: {  	[sflag:s0] =	ssyncadd.remote.s32 $0x1  }
0xc5: {  	_ =	sfence.sel $0xFFFF  }
0xc6: {  	[dreg:$0x0] =	wrdreg $0xFFFFFFFF;
	(pc) =	sbr.abs _section_cstart, $3  }
0xc7: {  	[dreg:$0x1] =	wrdreg $0xFFFFFFFF  }
0xc8: {  	_ =	task.clear_ibuf [dreg:s8], $0x2FFFF;
	_ =	strace $0x9FFFFFFF  }
0xc9: {  	(tm) =	ssettm $0x7FFFFFFF  }
tec
execute0_lowered:
.L_overlay_start_1:
0x0: {  	(tag) =	ssettag $0x1  }
0x1: {  	s1 =	srdreg.scid;
	s17 =	stileid.u32  }
0x2: {  	s1 =	sand.u32 $0x1, s1;
	s2 =	sshll.u32 s17, $0x1  }
0x3: {  	s0 =	rddreg [dreg:$0x0];
	s5 =	sor.u32 s1, s2  }
0x4: {  	s3 =	rddreg [dreg:$0x1];
	s6 =	smul.u32 $0x500, s5  }
0x5: {  	s4 =	rddreg [dreg:$0x2];
	s2 =	simm.s32 $0x0;
	s7 =	smul.u32 $0xA000, s5  }
0x6: {  	[smem:$0x7FF] =	sst s2;
	s0 =	sadd.s32 s6, s0  }
0x7: {  	s5 =	smul.u32 $0x50000, s5;
	s25 =	sadd.s32 s4, s7;
	s0 =	sadd.s32 $0xA00, s0  }
0x8: {  	_ =	strace $0x80000047;
	s19 =	sadd.s32 $0x800, s25;
	[dreg:$0x4] =	wrdreg s0  }
0x9: {  	s5 =	sshrl.u32 s5, $0x3;
	s20 =	sadd.s32 $0x1000, s25;
	[dreg:$0x5] =	wrdreg s19  }
0xa: {  	s21 =	sadd.s32 $0x1800, s25;
	s4 =	sadd.s32 s4, s5;
	[dreg:$0x6] =	wrdreg s20  }
0xb: {  	[dreg:$0x7] =	wrdreg s21;
	s22 =	sadd.s32 $0x2000, s4  }
0xc: {  	s23 =	sadd.s32 $0x2800, s4;
	[dreg:$0x8] =	wrdreg s22  }
0xd: {  	s24 =	sadd.s32 $0x3000, s4;
	[dreg:$0x9] =	wrdreg s23  }
0xe: {  	s26 =	sadd.s32 $0x3800, s4;
	[dreg:$0xa] =	wrdreg s24  }
0xf: {  	s5 =	sadd.s32 $0x4000, s4;
	[dreg:$0xb] =	wrdreg s26  }
0x10: {  	s31 =	simm.s32 $0x9;
	s6 =	sadd.s32 $0x4800, s4;
	[dreg:$0xc] =	wrdreg s5  }
0x11: {  	s30 =	simm.s32 $0x1200;
	s7 =	sadd.s32 $0x5000, s4;
	[dreg:$0xd] =	wrdreg s6  }
0x12: {  	s29 =	simm.s32 $0x1400;
	s8 =	sadd.s32 $0x5800, s4;
	[dreg:$0xe] =	wrdreg s7  }
0x13: {  	s28 =	simm.s32 $0x1600;
	s9 =	sadd.s32 $0x6000, s4;
	[dreg:$0xf] =	wrdreg s8  }
0x14: {  	p0 =	por $0x0, $0x0;
	s10 =	sadd.s32 $0x6800, s4;
	[dreg:$0x10] =	wrdreg s9  }
0x15: {  	s1 =	ssub.s32 $0x2, s1;
	s11 =	sadd.s32 $0x7000, s4;
	[dreg:$0x11] =	wrdreg s10  }
0x16: {  	s15 =	sshrl.u32 s1, $0x1;
	s12 =	sadd.s32 $0x7800, s4;
	[dreg:$0x12] =	wrdreg s11  }
0x17: {  	s1 =	ssub.s32 s1, s15;
	s13 =	sadd.s32 $0x8000, s4;
	[dreg:$0x13] =	wrdreg s12  }
0x18: {  	s15 =	simm.s32 $0x5;
	s14 =	sadd.s32 $0x8800, s4;
	[dreg:$0x14] =	wrdreg s13  }
0x19: {  	s16 =	sadd.s32 $0x9000, s4;
	s18 =	sadd.s32 $0x9800, s4;
	[dreg:$0x15] =	wrdreg s14  }
0x1a: {  	s19 =	smax.u32 s1, $0x1;
	s20 =	simm.s32 $0x400;
	[dreg:$0x16] =	wrdreg s16  }
0x1b: {  	s21 =	simm.s32 $0x600;
	s4 =	simm.s32 $0xE800;
	[dreg:$0x17] =	wrdreg s18  }
0x1c: {  	s13 =	simm.s32 $0x200;
	s10 =	simm.s32 $0x2800;
	[dreg:$0x18] =	wrdreg s20  }
0x1d: {  	s7 =	simm.s32 $0x6800;
	s5 =	simm.s32 $0xA800;
	[dreg:$0x19] =	wrdreg s21  }
0x1e: {  	s16 =	simm.s32 $0x1;
	s22 =	simm.s32 $0x800;
	s23 =	simm.s32 $0xA00  }
0x1f: {  	s14 =	simm.s32 $0x2;
	s12 =	simm.s32 $0x6;
	s11 =	simm.s32 $0x3  }
0x20: {  	s9 =	simm.s32 $0x7;
	s24 =	simm.s32 $0xC00;
	s8 =	simm.s32 $0x4  }
0x21: {  	s26 =	simm.s32 $0xE00;
	p1 =	sne.s32 s19, $0x1;
	s0 =	rddreg [dreg:$0x4]  }
.Ltmp0:
0x22: {  	s6 =	simm.s32 $0x8;
	[dreg:$0x1a] =	wrdreg s22;
	(pc) =	sbr.rel @!p1 .LBB2_1-.Ltmp0, $4  }
0x23: {  	s1 =	sadd.s32 $0xFFFFFFFF, s19;
	s21 =	simm.s32 $0x2000;
	[dreg:$0x1b] =	wrdreg s23  }
0x24: {  	s20 =	simm.s32 $0x2200;
	s19 =	simm.s32 $0x2400;
	[dreg:$0x1c] =	wrdreg s24  }
0x25: {  	s18 =	simm.s32 $0x2600;
	[dreg:$0x1d] =	wrdreg s26;
	s26 =	simm.s32 $0x1800  }
0x26: {  	s24 =	simm.s32 $0x1A00;
	s23 =	simm.s32 $0x1C00;
	s22 =	simm.s32 $0x1E00  }
0x27: {  	[tilespmem:s2], [sflag:$0x9] =	stream.linear.gather [hbm4b:s0+s2], $0x2800, $0x38;
	[tilespmem:$0x12800] =	vst v63  }
0x28: {  	_ =	swait.ge [sflag:s31], $0x2800  }
0x29: {  	[sflag:s31] =	ssyncset.done $0x0  }
0x2a: {  	[sflag:s31] =	ssyncadd.s32 $0xFFFFD800  }
0x2b: {  	[tilespmem:s10], [sflag:$0x1] =	stream.indirect.gather [hbm4b:s3+s13], $0x20, s2, s13, $0xb8;
	[tilespmem:$0x12800] =	vst v63  }
0x2c: {  	_ = 	snop  }
0x2d: {  	[tilespmem:s7], [sflag:$0x2] =	stream.indirect.gather [hbm4b:s3+s13], $0x20, s13, s13, $0xb8;
	[tilespmem:$0x12800] =	vst v63  }
0x2e: {  	s0 =	rddreg [dreg:$0x18]  }
0x2f: {  	[tilespmem:s5], [sflag:$0x3] =	stream.indirect.gather [hbm4b:s3+s13], $0x20, s0, s13, $0xb8;
	[tilespmem:$0x12800] =	vst v63  }
0x30: {  	s17 =	smov.u32 s1;
	s1 =	rddreg [dreg:$0x19]  }
0x31: {  	[tilespmem:s4], [sflag:$0x4] =	stream.indirect.gather [hbm4b:s3+s13], $0x20, s1, s13, $0xb8;
	[tilespmem:$0x12800] =	vst v63  }
0x32: {  	_ =	swait.ge [sflag:s16], $0x4000  }
0x33: {  	[sflag:s16] =	ssyncset.done $0x0  }
0x34: {  	[sflag:s16] =	ssyncadd.s32 $0xFFFFC000  }
0x35: {  	[hbm4b:s25+s2] =	stream.linear.scatter [tilespmem:s10], [sflag:$0x5], $0x4000, $0x38;
	[tilespmem:$0x12800] =	vst v63  }
0x36: {  	_ =	swait.ge [sflag:s15], $0x4000  }
0x37: {  	[sflag:s15] =	ssyncset.done $0x0  }
0x38: {  	s1 =	rddreg [dreg:$0x1a];
	[sflag:s15] =	ssyncadd.s32 $0xFFFFC000  }
0x39: {  	[tilespmem:s10], [sflag:$0x1] =	stream.indirect.gather [hbm4b:s3+s13], $0x20, s1, s13, $0xb8;
	[tilespmem:$0x12800] =	vst v63  }
0x3a: {  	_ =	swait.ge [sflag:s14], $0x4000  }
0x3b: {  	[sflag:s14] =	ssyncset.done $0x0  }
0x3c: {  	s1 =	rddreg [dreg:$0x5];
	[sflag:s14] =	ssyncadd.s32 $0xFFFFC000  }
0x3d: {  	[hbm4b:s1+s2] =	stream.linear.scatter [tilespmem:s7], [sflag:$0x6], $0x4000, $0x38;
	[tilespmem:$0x12800] =	vst v63  }
0x3e: {  	_ =	swait.ge [sflag:s12], $0x4000  }
0x3f: {  	[sflag:s12] =	ssyncset.done $0x0  }
0x40: {  	s1 =	rddreg [dreg:$0x1b];
	[sflag:s12] =	ssyncadd.s32 $0xFFFFC000  }
0x41: {  	[tilespmem:s7], [sflag:$0x2] =	stream.indirect.gather [hbm4b:s3+s13], $0x20, s1, s13, $0xb8;
	[tilespmem:$0x12800] =	vst v63  }
0x42: {  	_ =	swait.ge [sflag:s11], $0x4000  }
0x43: {  	[sflag:s11] =	ssyncset.done $0x0  }
0x44: {  	s1 =	rddreg [dreg:$0x6];
	[sflag:s11] =	ssyncadd.s32 $0xFFFFC000  }
0x45: {  	[hbm4b:s1+s2] =	stream.linear.scatter [tilespmem:s5], [sflag:$0x7], $0x4000, $0x38;
	[tilespmem:$0x12800] =	vst v63  }
0x46: {  	_ =	swait.ge [sflag:s9], $0x4000  }
0x47: {  	[sflag:s9] =	ssyncset.done $0x0  }
0x48: {  	s1 =	rddreg [dreg:$0x1c];
	[sflag:s9] =	ssyncadd.s32 $0xFFFFC000  }
0x49: {  	[tilespmem:s5], [sflag:$0x3] =	stream.indirect.gather [hbm4b:s3+s13], $0x20, s1, s13, $0xb8;
	[tilespmem:$0x12800] =	vst v63  }
0x4a: {  	_ =	swait.ge [sflag:s8], $0x4000  }
0x4b: {  	[sflag:s8] =	ssyncset.done $0x0  }
0x4c: {  	s1 =	rddreg [dreg:$0x7];
	[sflag:s8] =	ssyncadd.s32 $0xFFFFC000  }
0x4d: {  	[hbm4b:s1+s2] =	stream.linear.scatter [tilespmem:s4], [sflag:$0x8], $0x4000, $0x38;
	[tilespmem:$0x12800] =	vst v63  }
0x4e: {  	_ =	swait.ge [sflag:s6], $0x4000  }
0x4f: {  	[sflag:s6] =	ssyncset.done $0x0  }
0x50: {  	s1 =	rddreg [dreg:$0x1d];
	[sflag:s6] =	ssyncadd.s32 $0xFFFFC000  }
0x51: {  	[tilespmem:s4], [sflag:$0x4] =	stream.indirect.gather [hbm4b:s3+s13], $0x20, s1, s13, $0xb8;
	[tilespmem:$0x12800] =	vst v63  }
0x52: {  	_ =	swait.ge [sflag:s16], $0x4000  }
0x53: {  	[sflag:s16] =	ssyncset.done $0x0  }
0x54: {  	s1 =	rddreg [dreg:$0x8];
	[sflag:s16] =	ssyncadd.s32 $0xFFFFC000  }
0x55: {  	[hbm4b:s1+s2] =	stream.linear.scatter [tilespmem:s10], [sflag:$0x5], $0x4000, $0x38;
	[tilespmem:$0x12800] =	vst v63  }
0x56: {  	_ =	swait.ge [sflag:s15], $0x4000  }
0x57: {  	[sflag:s15] =	ssyncset.done $0x0  }
0x58: {  	s1 =	simm.s32 $0x1000;
	[sflag:s15] =	ssyncadd.s32 $0xFFFFC000  }
0x59: {  	[tilespmem:s10], [sflag:$0x1] =	stream.indirect.gather [hbm4b:s3+s13], $0x20, s1, s13, $0xb8;
	[tilespmem:$0x12800] =	vst v63  }
0x5a: {  	_ =	swait.ge [sflag:s14], $0x4000  }
0x5b: {  	[sflag:s14] =	ssyncset.done $0x0  }
0x5c: {  	s1 =	rddreg [dreg:$0x9];
	[sflag:s14] =	ssyncadd.s32 $0xFFFFC000  }
0x5d: {  	[hbm4b:s1+s2] =	stream.linear.scatter [tilespmem:s7], [sflag:$0x6], $0x4000, $0x38;
	[tilespmem:$0x12800] =	vst v63  }
0x5e: {  	_ =	swait.ge [sflag:s12], $0x4000  }
0x5f: {  	[sflag:s12] =	ssyncset.done $0x0  }
0x60: {  	[sflag:s12] =	ssyncadd.s32 $0xFFFFC000  }
0x61: {  	[tilespmem:s7], [sflag:$0x2] =	stream.indirect.gather [hbm4b:s3+s13], $0x20, s30, s13, $0xb8;
	[tilespmem:$0x12800] =	vst v63  }
0x62: {  	_ =	swait.ge [sflag:s11], $0x4000  }
0x63: {  	[sflag:s11] =	ssyncset.done $0x0  }
0x64: {  	s1 =	rddreg [dreg:$0xa];
	[sflag:s11] =	ssyncadd.s32 $0xFFFFC000  }
0x65: {  	[hbm4b:s1+s2] =	stream.linear.scatter [tilespmem:s5], [sflag:$0x7], $0x4000, $0x38;
	[tilespmem:$0x12800] =	vst v63  }
0x66: {  	_ =	swait.ge [sflag:s9], $0x4000  }
0x67: {  	[sflag:s9] =	ssyncset.done $0x0  }
0x68: {  	[sflag:s9] =	ssyncadd.s32 $0xFFFFC000  }
0x69: {  	[tilespmem:s5], [sflag:$0x3] =	stream.indirect.gather [hbm4b:s3+s13], $0x20, s29, s13, $0xb8;
	[tilespmem:$0x12800] =	vst v63  }
0x6a: {  	_ =	swait.ge [sflag:s8], $0x4000  }
0x6b: {  	[sflag:s8] =	ssyncset.done $0x0  }
0x6c: {  	s1 =	rddreg [dreg:$0xb];
	[sflag:s8] =	ssyncadd.s32 $0xFFFFC000  }
0x6d: {  	[hbm4b:s1+s2] =	stream.linear.scatter [tilespmem:s4], [sflag:$0x8], $0x4000, $0x38;
	[tilespmem:$0x12800] =	vst v63  }
0x6e: {  	_ =	swait.ge [sflag:s6], $0x4000  }
0x6f: {  	[sflag:s6] =	ssyncset.done $0x0  }
0x70: {  	[sflag:s6] =	ssyncadd.s32 $0xFFFFC000  }
0x71: {  	[tilespmem:s4], [sflag:$0x4] =	stream.indirect.gather [hbm4b:s3+s13], $0x20, s28, s13, $0xb8;
	[tilespmem:$0x12800] =	vst v63  }
0x72: {  	_ =	swait.ge [sflag:s16], $0x4000  }
0x73: {  	[sflag:s16] =	ssyncset.done $0x0  }
0x74: {  	s1 =	rddreg [dreg:$0xc];
	[sflag:s16] =	ssyncadd.s32 $0xFFFFC000  }
0x75: {  	[hbm4b:s1+s2] =	stream.linear.scatter [tilespmem:s10], [sflag:$0x5], $0x4000, $0x38;
	[tilespmem:$0x12800] =	vst v63  }
0x76: {  	_ =	swait.ge [sflag:s15], $0x4000  }
0x77: {  	[sflag:s15] =	ssyncset.done $0x0  }
0x78: {  	[sflag:s15] =	ssyncadd.s32 $0xFFFFC000  }
0x79: {  	[tilespmem:s10], [sflag:$0x1] =	stream.indirect.gather [hbm4b:s3+s13], $0x20, s26, s13, $0xb8;
	[tilespmem:$0x12800] =	vst v63  }
0x7a: {  	_ =	swait.ge [sflag:s14], $0x4000  }
0x7b: {  	[sflag:s14] =	ssyncset.done $0x0  }
0x7c: {  	s1 =	rddreg [dreg:$0xd];
	[sflag:s14] =	ssyncadd.s32 $0xFFFFC000  }
0x7d: {  	[hbm4b:s1+s2] =	stream.linear.scatter [tilespmem:s7], [sflag:$0x6], $0x4000, $0x38;
	[tilespmem:$0x12800] =	vst v63  }
0x7e: {  	_ =	swait.ge [sflag:s12], $0x4000  }
0x7f: {  	[sflag:s12] =	ssyncset.done $0x0  }
0x80: {  	[sflag:s12] =	ssyncadd.s32 $0xFFFFC000  }
0x81: {  	[tilespmem:s7], [sflag:$0x2] =	stream.indirect.gather [hbm4b:s3+s13], $0x20, s24, s13, $0xb8;
	[tilespmem:$0x12800] =	vst v63  }
0x82: {  	_ =	swait.ge [sflag:s11], $0x4000  }
0x83: {  	[sflag:s11] =	ssyncset.done $0x0  }
0x84: {  	s1 =	rddreg [dreg:$0xe];
	[sflag:s11] =	ssyncadd.s32 $0xFFFFC000  }
0x85: {  	[hbm4b:s1+s2] =	stream.linear.scatter [tilespmem:s5], [sflag:$0x7], $0x4000, $0x38;
	[tilespmem:$0x12800] =	vst v63  }
0x86: {  	_ =	swait.ge [sflag:s9], $0x4000  }
0x87: {  	[sflag:s9] =	ssyncset.done $0x0  }
0x88: {  	[sflag:s9] =	ssyncadd.s32 $0xFFFFC000  }
0x89: {  	[tilespmem:s5], [sflag:$0x3] =	stream.indirect.gather [hbm4b:s3+s13], $0x20, s23, s13, $0xb8;
	[tilespmem:$0x12800] =	vst v63  }
0x8a: {  	_ =	swait.ge [sflag:s8], $0x4000  }
0x8b: {  	[sflag:s8] =	ssyncset.done $0x0  }
0x8c: {  	s1 =	rddreg [dreg:$0xf];
	[sflag:s8] =	ssyncadd.s32 $0xFFFFC000  }
0x8d: {  	[hbm4b:s1+s2] =	stream.linear.scatter [tilespmem:s4], [sflag:$0x8], $0x4000, $0x38;
	[tilespmem:$0x12800] =	vst v63  }
0x8e: {  	_ =	swait.ge [sflag:s6], $0x4000  }
0x8f: {  	[sflag:s6] =	ssyncset.done $0x0  }
0x90: {  	[sflag:s6] =	ssyncadd.s32 $0xFFFFC000  }
0x91: {  	[tilespmem:s4], [sflag:$0x4] =	stream.indirect.gather [hbm4b:s3+s13], $0x20, s22, s13, $0xb8;
	[tilespmem:$0x12800] =	vst v63  }
0x92: {  	_ =	swait.ge [sflag:s16], $0x4000  }
0x93: {  	[sflag:s16] =	ssyncset.done $0x0  }
0x94: {  	s1 =	rddreg [dreg:$0x10];
	[sflag:s16] =	ssyncadd.s32 $0xFFFFC000  }
0x95: {  	[hbm4b:s1+s2] =	stream.linear.scatter [tilespmem:s10], [sflag:$0x5], $0x4000, $0x38;
	[tilespmem:$0x12800] =	vst v63  }
0x96: {  	_ =	swait.ge [sflag:s15], $0x4000  }
0x97: {  	[sflag:s15] =	ssyncset.done $0x0  }
0x98: {  	[sflag:s15] =	ssyncadd.s32 $0xFFFFC000  }
0x99: {  	[tilespmem:s10], [sflag:$0x1] =	stream.indirect.gather [hbm4b:s3+s13], $0x20, s21, s13, $0xb8;
	[tilespmem:$0x12800] =	vst v63  }
0x9a: {  	_ =	swait.ge [sflag:s14], $0x4000  }
0x9b: {  	[sflag:s14] =	ssyncset.done $0x0  }
0x9c: {  	s1 =	rddreg [dreg:$0x11];
	[sflag:s14] =	ssyncadd.s32 $0xFFFFC000  }
0x9d: {  	[hbm4b:s1+s2] =	stream.linear.scatter [tilespmem:s7], [sflag:$0x6], $0x4000, $0x38;
	[tilespmem:$0x12800] =	vst v63  }
0x9e: {  	_ =	swait.ge [sflag:s12], $0x4000  }
0x9f: {  	[sflag:s12] =	ssyncset.done $0x0  }
0xa0: {  	[sflag:s12] =	ssyncadd.s32 $0xFFFFC000  }
0xa1: {  	[tilespmem:s7], [sflag:$0x2] =	stream.indirect.gather [hbm4b:s3+s13], $0x20, s20, s13, $0xb8;
	[tilespmem:$0x12800] =	vst v63  }
0xa2: {  	_ =	swait.ge [sflag:s11], $0x4000  }
0xa3: {  	[sflag:s11] =	ssyncset.done $0x0  }
0xa4: {  	s1 =	rddreg [dreg:$0x12];
	[sflag:s11] =	ssyncadd.s32 $0xFFFFC000  }
0xa5: {  	[hbm4b:s1+s2] =	stream.linear.scatter [tilespmem:s5], [sflag:$0x7], $0x4000, $0x38;
	[tilespmem:$0x12800] =	vst v63  }
0xa6: {  	_ =	swait.ge [sflag:s9], $0x4000  }
0xa7: {  	[sflag:s9] =	ssyncset.done $0x0  }
0xa8: {  	[sflag:s9] =	ssyncadd.s32 $0xFFFFC000  }
0xa9: {  	[tilespmem:s5], [sflag:$0x3] =	stream.indirect.gather [hbm4b:s3+s13], $0x20, s19, s13, $0xb8;
	[tilespmem:$0x12800] =	vst v63  }
0xaa: {  	_ =	swait.ge [sflag:s8], $0x4000  }
0xab: {  	[sflag:s8] =	ssyncset.done $0x0  }
0xac: {  	s1 =	rddreg [dreg:$0x13];
	[sflag:s8] =	ssyncadd.s32 $0xFFFFC000  }
0xad: {  	[hbm4b:s1+s2] =	stream.linear.scatter [tilespmem:s4], [sflag:$0x8], $0x4000, $0x38;
	[tilespmem:$0x12800] =	vst v63  }
0xae: {  	_ =	swait.ge [sflag:s6], $0x4000  }
0xaf: {  	[sflag:s6] =	ssyncset.done $0x0  }
0xb0: {  	[sflag:s6] =	ssyncadd.s32 $0xFFFFC000  }
0xb1: {  	[tilespmem:s4], [sflag:$0x4] =	stream.indirect.gather [hbm4b:s3+s13], $0x20, s18, s13, $0xb8;
	[tilespmem:$0x12800] =	vst v63  }
0xb2: {  	_ =	swait.ge [sflag:s16], $0x4000  }
0xb3: {  	[sflag:s16] =	ssyncset.done $0x0  }
0xb4: {  	s1 =	rddreg [dreg:$0x14];
	[sflag:s16] =	ssyncadd.s32 $0xFFFFC000  }
0xb5: {  	[hbm4b:s1+s2] =	stream.linear.scatter [tilespmem:s10], [sflag:$0x5], $0x4000, $0x38;
	[tilespmem:$0x12800] =	vst v63  }
0xb6: {  	_ =	swait.ge [sflag:s15], $0x4000  }
0xb7: {  	[sflag:s15] =	ssyncset.done $0x0  }
0xb8: {  	[sflag:s15] =	ssyncadd.s32 $0xFFFFC000  }
0xb9: {  	_ =	swait.ge [sflag:s14], $0x4000  }
0xba: {  	[sflag:s14] =	ssyncset.done $0x0  }
0xbb: {  	s1 =	rddreg [dreg:$0x15];
	[sflag:s14] =	ssyncadd.s32 $0xFFFFC000  }
0xbc: {  	[hbm4b:s1+s2] =	stream.linear.scatter [tilespmem:s7], [sflag:$0x6], $0x4000, $0x38;
	[tilespmem:$0x12800] =	vst v63  }
0xbd: {  	_ =	swait.ge [sflag:s12], $0x4000  }
0xbe: {  	[sflag:s12] =	ssyncset.done $0x0  }
0xbf: {  	[sflag:s12] =	ssyncadd.s32 $0xFFFFC000  }
0xc0: {  	_ =	swait.ge [sflag:s11], $0x4000  }
0xc1: {  	[sflag:s11] =	ssyncset.done $0x0  }
0xc2: {  	s1 =	rddreg [dreg:$0x16];
	[sflag:s11] =	ssyncadd.s32 $0xFFFFC000  }
0xc3: {  	[hbm4b:s1+s2] =	stream.linear.scatter [tilespmem:s5], [sflag:$0x7], $0x4000, $0x38;
	[tilespmem:$0x12800] =	vst v63  }
0xc4: {  	_ =	swait.ge [sflag:s9], $0x4000  }
0xc5: {  	[sflag:s9] =	ssyncset.done $0x0  }
0xc6: {  	[sflag:s9] =	ssyncadd.s32 $0xFFFFC000  }
0xc7: {  	p1 =	sne.s32 s17, $0x1;
	_ =	swait.ge [sflag:s8], $0x4000  }
.Ltmp1:
0xc8: {  	[sflag:s8] =	ssyncset.done $0x0;
	(pc) =	sbr.rel @!p1 .LBB2_3-.Ltmp1, $4  }
0xc9: {  	s1 =	rddreg [dreg:$0x17];
	[sflag:s8] =	ssyncadd.s32 $0xFFFFC000  }
0xca: {  	[hbm4b:s1+s2] =	stream.linear.scatter [tilespmem:s4], [sflag:$0x8], $0x4000, $0x38;
	[tilespmem:$0x12800] =	vst v63  }
0xcb: {  	p0 =	por $0x1, $0x1;
	_ =	swait.ge [sflag:s6], $0x4000  }
0xcc: {  	s1 =	sadd.s32 $0xFFFFFFFF, s17;
	s0 =	rddreg [dreg:$0x4];
	[sflag:s6] =	ssyncset.done $0x0  }
.LBB2_4:
0xcd: {  	[sflag:s6] =	ssyncadd.s32 $0xFFFFC000  }
0xce: {  	[tilespmem:s2], [sflag:$0x9] =	stream.linear.gather [hbm4b:s0+s2], $0x2800, $0x38;
	[tilespmem:$0x12800] =	vst v63  }
0xcf: {  	_ =	swait.ge [sflag:s31], $0x2800  }
0xd0: {  	[sflag:s31] =	ssyncset.done $0x0  }
0xd1: {  	[sflag:s31] =	ssyncadd.s32 $0xFFFFD800  }
0xd2: {  	[tilespmem:s10], [sflag:$0x1] =	stream.indirect.gather [hbm4b:s3+s13], $0x20, s2, s13, $0xb8;
	[tilespmem:$0x12800] =	vst v63  }
0xd3: {  	_ = 	snop  }
0xd4: {  	[tilespmem:s7], [sflag:$0x2] =	stream.indirect.gather [hbm4b:s3+s13], $0x20, s13, s13, $0xb8;
	[tilespmem:$0x12800] =	vst v63  }
0xd5: {  	s0 =	rddreg [dreg:$0x18]  }
0xd6: {  	[tilespmem:s5], [sflag:$0x3] =	stream.indirect.gather [hbm4b:s3+s13], $0x20, s0, s13, $0xb8;
	[tilespmem:$0x12800] =	vst v63  }
0xd7: {  	s17 =	rddreg [dreg:$0x19]  }
0xd8: {  	[tilespmem:s4], [sflag:$0x4] =	stream.indirect.gather [hbm4b:s3+s13], $0x20, s17, s13, $0xb8;
	[tilespmem:$0x12800] =	vst v63  }
0xd9: {  	_ =	swait.ge [sflag:s16], $0x4000  }
0xda: {  	[sflag:s16] =	ssyncset.done $0x0  }
0xdb: {  	[sflag:s16] =	ssyncadd.s32 $0xFFFFC000  }
0xdc: {  	[hbm4b:s25+s2] =	stream.linear.scatter [tilespmem:s10], [sflag:$0x5], $0x4000, $0x38;
	[tilespmem:$0x12800] =	vst v63  }
0xdd: {  	_ =	swait.ge [sflag:s15], $0x4000  }
0xde: {  	[sflag:s15] =	ssyncset.done $0x0  }
0xdf: {  	s17 =	rddreg [dreg:$0x1a];
	[sflag:s15] =	ssyncadd.s32 $0xFFFFC000  }
0xe0: {  	[tilespmem:s10], [sflag:$0x1] =	stream.indirect.gather [hbm4b:s3+s13], $0x20, s17, s13, $0xb8;
	[tilespmem:$0x12800] =	vst v63  }
0xe1: {  	_ =	swait.ge [sflag:s14], $0x4000  }
0xe2: {  	[sflag:s14] =	ssyncset.done $0x0  }
0xe3: {  	s17 =	rddreg [dreg:$0x5];
	[sflag:s14] =	ssyncadd.s32 $0xFFFFC000  }
0xe4: {  	[hbm4b:s17+s2] =	stream.linear.scatter [tilespmem:s7], [sflag:$0x6], $0x4000, $0x38;
	[tilespmem:$0x12800] =	vst v63  }
0xe5: {  	_ =	swait.ge [sflag:s12], $0x4000  }
0xe6: {  	[sflag:s12] =	ssyncset.done $0x0  }
0xe7: {  	s17 =	rddreg [dreg:$0x1b];
	[sflag:s12] =	ssyncadd.s32 $0xFFFFC000  }
0xe8: {  	[tilespmem:s7], [sflag:$0x2] =	stream.indirect.gather [hbm4b:s3+s13], $0x20, s17, s13, $0xb8;
	[tilespmem:$0x12800] =	vst v63  }
0xe9: {  	_ =	swait.ge [sflag:s11], $0x4000  }
0xea: {  	[sflag:s11] =	ssyncset.done $0x0  }
0xeb: {  	s17 =	rddreg [dreg:$0x6];
	[sflag:s11] =	ssyncadd.s32 $0xFFFFC000  }
0xec: {  	[hbm4b:s17+s2] =	stream.linear.scatter [tilespmem:s5], [sflag:$0x7], $0x4000, $0x38;
	[tilespmem:$0x12800] =	vst v63  }
0xed: {  	_ =	swait.ge [sflag:s9], $0x4000  }
0xee: {  	[sflag:s9] =	ssyncset.done $0x0  }
0xef: {  	s17 =	rddreg [dreg:$0x1c];
	[sflag:s9] =	ssyncadd.s32 $0xFFFFC000  }
0xf0: {  	[tilespmem:s5], [sflag:$0x3] =	stream.indirect.gather [hbm4b:s3+s13], $0x20, s17, s13, $0xb8;
	[tilespmem:$0x12800] =	vst v63  }
0xf1: {  	_ =	swait.ge [sflag:s8], $0x4000  }
0xf2: {  	[sflag:s8] =	ssyncset.done $0x0  }
0xf3: {  	s17 =	rddreg [dreg:$0x7];
	[sflag:s8] =	ssyncadd.s32 $0xFFFFC000  }
0xf4: {  	[hbm4b:s17+s2] =	stream.linear.scatter [tilespmem:s4], [sflag:$0x8], $0x4000, $0x38;
	[tilespmem:$0x12800] =	vst v63  }
0xf5: {  	_ =	swait.ge [sflag:s6], $0x4000  }
0xf6: {  	[sflag:s6] =	ssyncset.done $0x0  }
0xf7: {  	s17 =	rddreg [dreg:$0x1d];
	[sflag:s6] =	ssyncadd.s32 $0xFFFFC000  }
0xf8: {  	[tilespmem:s4], [sflag:$0x4] =	stream.indirect.gather [hbm4b:s3+s13], $0x20, s17, s13, $0xb8;
	[tilespmem:$0x12800] =	vst v63  }
0xf9: {  	_ =	swait.ge [sflag:s16], $0x4000  }
0xfa: {  	[sflag:s16] =	ssyncset.done $0x0  }
0xfb: {  	s17 =	rddreg [dreg:$0x8];
	[sflag:s16] =	ssyncadd.s32 $0xFFFFC000  }
0xfc: {  	[hbm4b:s17+s2] =	stream.linear.scatter [tilespmem:s10], [sflag:$0x5], $0x4000, $0x38;
	[tilespmem:$0x12800] =	vst v63  }
0xfd: {  	_ =	swait.ge [sflag:s15], $0x4000  }
0xfe: {  	[sflag:s15] =	ssyncset.done $0x0  }
0xff: {  	s17 =	simm.s32 $0x1000;
	[sflag:s15] =	ssyncadd.s32 $0xFFFFC000  }
0x100: {  	[tilespmem:s10], [sflag:$0x1] =	stream.indirect.gather [hbm4b:s3+s13], $0x20, s17, s13, $0xb8;
	[tilespmem:$0x12800] =	vst v63  }
0x101: {  	_ =	swait.ge [sflag:s14], $0x4000  }
0x102: {  	[sflag:s14] =	ssyncset.done $0x0  }
0x103: {  	s17 =	rddreg [dreg:$0x9];
	[sflag:s14] =	ssyncadd.s32 $0xFFFFC000  }
0x104: {  	[hbm4b:s17+s2] =	stream.linear.scatter [tilespmem:s7], [sflag:$0x6], $0x4000, $0x38;
	[tilespmem:$0x12800] =	vst v63  }
0x105: {  	_ =	swait.ge [sflag:s12], $0x4000  }
0x106: {  	[sflag:s12] =	ssyncset.done $0x0  }
0x107: {  	[sflag:s12] =	ssyncadd.s32 $0xFFFFC000  }
0x108: {  	[tilespmem:s7], [sflag:$0x2] =	stream.indirect.gather [hbm4b:s3+s13], $0x20, s30, s13, $0xb8;
	[tilespmem:$0x12800] =	vst v63  }
0x109: {  	_ =	swait.ge [sflag:s11], $0x4000  }
0x10a: {  	[sflag:s11] =	ssyncset.done $0x0  }
0x10b: {  	s17 =	rddreg [dreg:$0xa];
	[sflag:s11] =	ssyncadd.s32 $0xFFFFC000  }
0x10c: {  	[hbm4b:s17+s2] =	stream.linear.scatter [tilespmem:s5], [sflag:$0x7], $0x4000, $0x38;
	[tilespmem:$0x12800] =	vst v63  }
0x10d: {  	_ =	swait.ge [sflag:s9], $0x4000  }
0x10e: {  	[sflag:s9] =	ssyncset.done $0x0  }
0x10f: {  	[sflag:s9] =	ssyncadd.s32 $0xFFFFC000  }
0x110: {  	[tilespmem:s5], [sflag:$0x3] =	stream.indirect.gather [hbm4b:s3+s13], $0x20, s29, s13, $0xb8;
	[tilespmem:$0x12800] =	vst v63  }
0x111: {  	_ =	swait.ge [sflag:s8], $0x4000  }
0x112: {  	[sflag:s8] =	ssyncset.done $0x0  }
0x113: {  	s17 =	rddreg [dreg:$0xb];
	[sflag:s8] =	ssyncadd.s32 $0xFFFFC000  }
0x114: {  	[hbm4b:s17+s2] =	stream.linear.scatter [tilespmem:s4], [sflag:$0x8], $0x4000, $0x38;
	[tilespmem:$0x12800] =	vst v63  }
0x115: {  	_ =	swait.ge [sflag:s6], $0x4000  }
0x116: {  	[sflag:s6] =	ssyncset.done $0x0  }
0x117: {  	[sflag:s6] =	ssyncadd.s32 $0xFFFFC000  }
0x118: {  	[tilespmem:s4], [sflag:$0x4] =	stream.indirect.gather [hbm4b:s3+s13], $0x20, s28, s13, $0xb8;
	[tilespmem:$0x12800] =	vst v63  }
0x119: {  	_ =	swait.ge [sflag:s16], $0x4000  }
0x11a: {  	[sflag:s16] =	ssyncset.done $0x0  }
0x11b: {  	s17 =	rddreg [dreg:$0xc];
	[sflag:s16] =	ssyncadd.s32 $0xFFFFC000  }
0x11c: {  	[hbm4b:s17+s2] =	stream.linear.scatter [tilespmem:s10], [sflag:$0x5], $0x4000, $0x38;
	[tilespmem:$0x12800] =	vst v63  }
0x11d: {  	_ =	swait.ge [sflag:s15], $0x4000  }
0x11e: {  	[sflag:s15] =	ssyncset.done $0x0  }
0x11f: {  	[sflag:s15] =	ssyncadd.s32 $0xFFFFC000  }
0x120: {  	[tilespmem:s10], [sflag:$0x1] =	stream.indirect.gather [hbm4b:s3+s13], $0x20, s26, s13, $0xb8;
	[tilespmem:$0x12800] =	vst v63  }
0x121: {  	_ =	swait.ge [sflag:s14], $0x4000  }
0x122: {  	[sflag:s14] =	ssyncset.done $0x0  }
0x123: {  	s17 =	rddreg [dreg:$0xd];
	[sflag:s14] =	ssyncadd.s32 $0xFFFFC000  }
0x124: {  	[hbm4b:s17+s2] =	stream.linear.scatter [tilespmem:s7], [sflag:$0x6], $0x4000, $0x38;
	[tilespmem:$0x12800] =	vst v63  }
0x125: {  	_ =	swait.ge [sflag:s12], $0x4000  }
0x126: {  	[sflag:s12] =	ssyncset.done $0x0  }
0x127: {  	[sflag:s12] =	ssyncadd.s32 $0xFFFFC000  }
0x128: {  	[tilespmem:s7], [sflag:$0x2] =	stream.indirect.gather [hbm4b:s3+s13], $0x20, s24, s13, $0xb8;
	[tilespmem:$0x12800] =	vst v63  }
0x129: {  	_ =	swait.ge [sflag:s11], $0x4000  }
0x12a: {  	[sflag:s11] =	ssyncset.done $0x0  }
0x12b: {  	s17 =	rddreg [dreg:$0xe];
	[sflag:s11] =	ssyncadd.s32 $0xFFFFC000  }
0x12c: {  	[hbm4b:s17+s2] =	stream.linear.scatter [tilespmem:s5], [sflag:$0x7], $0x4000, $0x38;
	[tilespmem:$0x12800] =	vst v63  }
0x12d: {  	_ =	swait.ge [sflag:s9], $0x4000  }
0x12e: {  	[sflag:s9] =	ssyncset.done $0x0  }
0x12f: {  	[sflag:s9] =	ssyncadd.s32 $0xFFFFC000  }
0x130: {  	[tilespmem:s5], [sflag:$0x3] =	stream.indirect.gather [hbm4b:s3+s13], $0x20, s23, s13, $0xb8;
	[tilespmem:$0x12800] =	vst v63  }
0x131: {  	_ =	swait.ge [sflag:s8], $0x4000  }
0x132: {  	[sflag:s8] =	ssyncset.done $0x0  }
0x133: {  	s17 =	rddreg [dreg:$0xf];
	[sflag:s8] =	ssyncadd.s32 $0xFFFFC000  }
0x134: {  	[hbm4b:s17+s2] =	stream.linear.scatter [tilespmem:s4], [sflag:$0x8], $0x4000, $0x38;
	[tilespmem:$0x12800] =	vst v63  }
0x135: {  	_ =	swait.ge [sflag:s6], $0x4000  }
0x136: {  	[sflag:s6] =	ssyncset.done $0x0  }
0x137: {  	[sflag:s6] =	ssyncadd.s32 $0xFFFFC000  }
0x138: {  	[tilespmem:s4], [sflag:$0x4] =	stream.indirect.gather [hbm4b:s3+s13], $0x20, s22, s13, $0xb8;
	[tilespmem:$0x12800] =	vst v63  }
0x139: {  	_ =	swait.ge [sflag:s16], $0x4000  }
0x13a: {  	[sflag:s16] =	ssyncset.done $0x0  }
0x13b: {  	s17 =	rddreg [dreg:$0x10];
	[sflag:s16] =	ssyncadd.s32 $0xFFFFC000  }
0x13c: {  	[hbm4b:s17+s2] =	stream.linear.scatter [tilespmem:s10], [sflag:$0x5], $0x4000, $0x38;
	[tilespmem:$0x12800] =	vst v63  }
0x13d: {  	_ =	swait.ge [sflag:s15], $0x4000  }
0x13e: {  	[sflag:s15] =	ssyncset.done $0x0  }
0x13f: {  	[sflag:s15] =	ssyncadd.s32 $0xFFFFC000  }
0x140: {  	[tilespmem:s10], [sflag:$0x1] =	stream.indirect.gather [hbm4b:s3+s13], $0x20, s21, s13, $0xb8;
	[tilespmem:$0x12800] =	vst v63  }
0x141: {  	_ =	swait.ge [sflag:s14], $0x4000  }
0x142: {  	[sflag:s14] =	ssyncset.done $0x0  }
0x143: {  	s17 =	rddreg [dreg:$0x11];
	[sflag:s14] =	ssyncadd.s32 $0xFFFFC000  }
0x144: {  	[hbm4b:s17+s2] =	stream.linear.scatter [tilespmem:s7], [sflag:$0x6], $0x4000, $0x38;
	[tilespmem:$0x12800] =	vst v63  }
0x145: {  	_ =	swait.ge [sflag:s12], $0x4000  }
0x146: {  	[sflag:s12] =	ssyncset.done $0x0  }
0x147: {  	[sflag:s12] =	ssyncadd.s32 $0xFFFFC000  }
0x148: {  	[tilespmem:s7], [sflag:$0x2] =	stream.indirect.gather [hbm4b:s3+s13], $0x20, s20, s13, $0xb8;
	[tilespmem:$0x12800] =	vst v63  }
0x149: {  	_ =	swait.ge [sflag:s11], $0x4000  }
0x14a: {  	[sflag:s11] =	ssyncset.done $0x0  }
0x14b: {  	s17 =	rddreg [dreg:$0x12];
	[sflag:s11] =	ssyncadd.s32 $0xFFFFC000  }
0x14c: {  	[hbm4b:s17+s2] =	stream.linear.scatter [tilespmem:s5], [sflag:$0x7], $0x4000, $0x38;
	[tilespmem:$0x12800] =	vst v63  }
0x14d: {  	_ =	swait.ge [sflag:s9], $0x4000  }
0x14e: {  	[sflag:s9] =	ssyncset.done $0x0  }
0x14f: {  	[sflag:s9] =	ssyncadd.s32 $0xFFFFC000  }
0x150: {  	[tilespmem:s5], [sflag:$0x3] =	stream.indirect.gather [hbm4b:s3+s13], $0x20, s19, s13, $0xb8;
	[tilespmem:$0x12800] =	vst v63  }
0x151: {  	_ =	swait.ge [sflag:s8], $0x4000  }
0x152: {  	[sflag:s8] =	ssyncset.done $0x0  }
0x153: {  	s17 =	rddreg [dreg:$0x13];
	[sflag:s8] =	ssyncadd.s32 $0xFFFFC000  }
0x154: {  	[hbm4b:s17+s2] =	stream.linear.scatter [tilespmem:s4], [sflag:$0x8], $0x4000, $0x38;
	[tilespmem:$0x12800] =	vst v63  }
0x155: {  	_ =	swait.ge [sflag:s6], $0x4000  }
0x156: {  	[sflag:s6] =	ssyncset.done $0x0  }
0x157: {  	[sflag:s6] =	ssyncadd.s32 $0xFFFFC000  }
0x158: {  	[tilespmem:s4], [sflag:$0x4] =	stream.indirect.gather [hbm4b:s3+s13], $0x20, s18, s13, $0xb8;
	[tilespmem:$0x12800] =	vst v63  }
0x159: {  	_ =	swait.ge [sflag:s16], $0x4000  }
0x15a: {  	[sflag:s16] =	ssyncset.done $0x0  }
0x15b: {  	s17 =	rddreg [dreg:$0x14];
	[sflag:s16] =	ssyncadd.s32 $0xFFFFC000  }
0x15c: {  	[hbm4b:s17+s2] =	stream.linear.scatter [tilespmem:s10], [sflag:$0x5], $0x4000, $0x38;
	[tilespmem:$0x12800] =	vst v63  }
0x15d: {  	_ =	swait.ge [sflag:s15], $0x4000  }
0x15e: {  	[sflag:s15] =	ssyncset.done $0x0  }
0x15f: {  	[sflag:s15] =	ssyncadd.s32 $0xFFFFC000  }
0x160: {  	_ =	swait.ge [sflag:s14], $0x4000  }
0x161: {  	[sflag:s14] =	ssyncset.done $0x0  }
0x162: {  	s17 =	rddreg [dreg:$0x15];
	[sflag:s14] =	ssyncadd.s32 $0xFFFFC000  }
0x163: {  	[hbm4b:s17+s2] =	stream.linear.scatter [tilespmem:s7], [sflag:$0x6], $0x4000, $0x38;
	[tilespmem:$0x12800] =	vst v63  }
0x164: {  	_ =	swait.ge [sflag:s12], $0x4000  }
0x165: {  	[sflag:s12] =	ssyncset.done $0x0  }
0x166: {  	[sflag:s12] =	ssyncadd.s32 $0xFFFFC000  }
0x167: {  	_ =	swait.ge [sflag:s11], $0x4000  }
0x168: {  	[sflag:s11] =	ssyncset.done $0x0  }
0x169: {  	s17 =	rddreg [dreg:$0x16];
	[sflag:s11] =	ssyncadd.s32 $0xFFFFC000  }
0x16a: {  	[hbm4b:s17+s2] =	stream.linear.scatter [tilespmem:s5], [sflag:$0x7], $0x4000, $0x38;
	[tilespmem:$0x12800] =	vst v63  }
0x16b: {  	_ =	swait.ge [sflag:s9], $0x4000  }
0x16c: {  	[sflag:s9] =	ssyncset.done $0x0  }
0x16d: {  	[sflag:s9] =	ssyncadd.s32 $0xFFFFC000  }
0x16e: {  	p1 =	sne.s32 s1, $0x1;
	_ =	swait.ge [sflag:s8], $0x4000  }
.Ltmp2:
0x16f: {  	[sflag:s8] =	ssyncset.done $0x0;
	(pc) =	sbr.rel @p1 .LBB2_4-.Ltmp2, $4  }
0x170: {  	s17 =	rddreg [dreg:$0x17];
	[sflag:s8] =	ssyncadd.s32 $0xFFFFC000  }
0x171: {  	[hbm4b:s17+s2] =	stream.linear.scatter [tilespmem:s4], [sflag:$0x8], $0x4000, $0x38;
	[tilespmem:$0x12800] =	vst v63  }
0x172: {  	_ =	swait.ge [sflag:s6], $0x4000  }
0x173: {  	s1 =	sadd.s32 $0xFFFFFFFF, s1;
	s0 =	rddreg [dreg:$0x4];
	[sflag:s6] =	ssyncset.done $0x0  }
0x174: {  	s18 =	simm.s32 $0x1000;
	s30 =	simm.s32 $0x1200;
	s29 =	simm.s32 $0x1400  }
0x175: {  	s28 =	simm.s32 $0x1600;
	s26 =	simm.s32 $0x1800;
	s24 =	simm.s32 $0x1A00  }
0x176: {  	s23 =	simm.s32 $0x1C00;
	s22 =	simm.s32 $0x1E00;
	s21 =	simm.s32 $0x2000  }
0x177: {  	s20 =	simm.s32 $0x2200;
	s19 =	simm.s32 $0x2400;
	s17 =	stileid.u32  }
.LBB2_6:
0x178: {  	[sflag:s6] =	ssyncadd.s32 @p0 $0xFFFFC000  }
0x179: {  	[tilespmem:s2], [sflag:$0x9] =	stream.linear.gather [hbm4b:s0+s2], $0x2800, $0x38;
	[tilespmem:$0x12800] =	vst v63  }
0x17a: {  	_ =	swait.ge [sflag:s31], $0x2800  }
0x17b: {  	[sflag:s31] =	ssyncset.done $0x0  }
0x17c: {  	[sflag:s31] =	ssyncadd.s32 $0xFFFFD800  }
0x17d: {  	[tilespmem:s10], [sflag:$0x1] =	stream.indirect.gather [hbm4b:s3+s13], $0x20, s2, s13, $0xb8;
	[tilespmem:$0x12800] =	vst v63  }
0x17e: {  	_ = 	snop  }
0x17f: {  	[tilespmem:s7], [sflag:$0x2] =	stream.indirect.gather [hbm4b:s3+s13], $0x20, s13, s13, $0xb8;
	[tilespmem:$0x12800] =	vst v63  }
0x180: {  	s31 =	rddreg [dreg:$0x18]  }
0x181: {  	[tilespmem:s5], [sflag:$0x3] =	stream.indirect.gather [hbm4b:s3+s13], $0x20, s31, s13, $0xb8;
	[tilespmem:$0x12800] =	vst v63  }
0x182: {  	s1 =	rddreg [dreg:$0x19]  }
0x183: {  	[tilespmem:s4], [sflag:$0x4] =	stream.indirect.gather [hbm4b:s3+s13], $0x20, s1, s13, $0xb8;
	[tilespmem:$0x12800] =	vst v63  }
0x184: {  	_ =	swait.ge [sflag:s16], $0x4000  }
0x185: {  	[sflag:s16] =	ssyncset.done $0x0  }
0x186: {  	[sflag:s16] =	ssyncadd.s32 $0xFFFFC000  }
0x187: {  	[hbm4b:s25+s2] =	stream.linear.scatter [tilespmem:s10], [sflag:$0x5], $0x4000, $0x38;
	[tilespmem:$0x12800] =	vst v63  }
0x188: {  	_ =	swait.ge [sflag:s15], $0x4000  }
0x189: {  	[sflag:s15] =	ssyncset.done $0x0  }
0x18a: {  	s31 =	rddreg [dreg:$0x1a];
	[sflag:s15] =	ssyncadd.s32 $0xFFFFC000  }
0x18b: {  	[tilespmem:s10], [sflag:$0x1] =	stream.indirect.gather [hbm4b:s3+s13], $0x20, s31, s13, $0xb8;
	[tilespmem:$0x12800] =	vst v63  }
0x18c: {  	_ =	swait.ge [sflag:s14], $0x4000  }
0x18d: {  	[sflag:s14] =	ssyncset.done $0x0  }
0x18e: {  	s1 =	rddreg [dreg:$0x5];
	[sflag:s14] =	ssyncadd.s32 $0xFFFFC000  }
0x18f: {  	[hbm4b:s1+s2] =	stream.linear.scatter [tilespmem:s7], [sflag:$0x6], $0x4000, $0x38;
	[tilespmem:$0x12800] =	vst v63  }
0x190: {  	_ =	swait.ge [sflag:s12], $0x4000  }
0x191: {  	[sflag:s12] =	ssyncset.done $0x0  }
0x192: {  	s25 =	rddreg [dreg:$0x1b];
	[sflag:s12] =	ssyncadd.s32 $0xFFFFC000  }
0x193: {  	[tilespmem:s7], [sflag:$0x2] =	stream.indirect.gather [hbm4b:s3+s13], $0x20, s25, s13, $0xb8;
	[tilespmem:$0x12800] =	vst v63  }
0x194: {  	_ =	swait.ge [sflag:s11], $0x4000  }
0x195: {  	[sflag:s11] =	ssyncset.done $0x0  }
0x196: {  	s31 =	rddreg [dreg:$0x6];
	[sflag:s11] =	ssyncadd.s32 $0xFFFFC000  }
0x197: {  	[hbm4b:s31+s2] =	stream.linear.scatter [tilespmem:s5], [sflag:$0x7], $0x4000, $0x38;
	[tilespmem:$0x12800] =	vst v63  }
0x198: {  	_ =	swait.ge [sflag:s9], $0x4000  }
0x199: {  	[sflag:s9] =	ssyncset.done $0x0  }
0x19a: {  	s1 =	rddreg [dreg:$0x1c];
	[sflag:s9] =	ssyncadd.s32 $0xFFFFC000  }
0x19b: {  	[tilespmem:s5], [sflag:$0x3] =	stream.indirect.gather [hbm4b:s3+s13], $0x20, s1, s13, $0xb8;
	[tilespmem:$0x12800] =	vst v63  }
0x19c: {  	_ =	swait.ge [sflag:s8], $0x4000  }
0x19d: {  	[sflag:s8] =	ssyncset.done $0x0  }
0x19e: {  	s25 =	rddreg [dreg:$0x7];
	[sflag:s8] =	ssyncadd.s32 $0xFFFFC000  }
0x19f: {  	[hbm4b:s25+s2] =	stream.linear.scatter [tilespmem:s4], [sflag:$0x8], $0x4000, $0x38;
	[tilespmem:$0x12800] =	vst v63  }
0x1a0: {  	_ =	swait.ge [sflag:s6], $0x4000  }
0x1a1: {  	[sflag:s6] =	ssyncset.done $0x0  }
0x1a2: {  	s31 =	rddreg [dreg:$0x1d];
	[sflag:s6] =	ssyncadd.s32 $0xFFFFC000  }
0x1a3: {  	[tilespmem:s4], [sflag:$0x4] =	stream.indirect.gather [hbm4b:s3+s13], $0x20, s31, s13, $0xb8;
	[tilespmem:$0x12800] =	vst v63  }
0x1a4: {  	_ =	swait.ge [sflag:s16], $0x4000  }
0x1a5: {  	[sflag:s16] =	ssyncset.done $0x0  }
0x1a6: {  	s1 =	rddreg [dreg:$0x8];
	[sflag:s16] =	ssyncadd.s32 $0xFFFFC000  }
0x1a7: {  	[hbm4b:s1+s2] =	stream.linear.scatter [tilespmem:s10], [sflag:$0x5], $0x4000, $0x38;
	[tilespmem:$0x12800] =	vst v63  }
0x1a8: {  	_ =	swait.ge [sflag:s15], $0x4000  }
0x1a9: {  	[sflag:s15] =	ssyncset.done $0x0  }
0x1aa: {  	[sflag:s15] =	ssyncadd.s32 $0xFFFFC000  }
0x1ab: {  	[tilespmem:s10], [sflag:$0x1] =	stream.indirect.gather [hbm4b:s3+s13], $0x20, s18, s13, $0xb8;
	[tilespmem:$0x12800] =	vst v63  }
0x1ac: {  	_ =	swait.ge [sflag:s14], $0x4000  }
0x1ad: {  	[sflag:s14] =	ssyncset.done $0x0  }
0x1ae: {  	s18 =	rddreg [dreg:$0x9];
	[sflag:s14] =	ssyncadd.s32 $0xFFFFC000  }
0x1af: {  	[hbm4b:s18+s2] =	stream.linear.scatter [tilespmem:s7], [sflag:$0x6], $0x4000, $0x38;
	[tilespmem:$0x12800] =	vst v63  }
0x1b0: {  	_ =	swait.ge [sflag:s12], $0x4000  }
0x1b1: {  	[sflag:s12] =	ssyncset.done $0x0  }
0x1b2: {  	[sflag:s12] =	ssyncadd.s32 $0xFFFFC000  }
0x1b3: {  	[tilespmem:s7], [sflag:$0x2] =	stream.indirect.gather [hbm4b:s3+s13], $0x20, s30, s13, $0xb8;
	[tilespmem:$0x12800] =	vst v63  }
0x1b4: {  	_ =	swait.ge [sflag:s11], $0x4000  }
0x1b5: {  	[sflag:s11] =	ssyncset.done $0x0  }
0x1b6: {  	s25 =	rddreg [dreg:$0xa];
	[sflag:s11] =	ssyncadd.s32 $0xFFFFC000  }
0x1b7: {  	[hbm4b:s25+s2] =	stream.linear.scatter [tilespmem:s5], [sflag:$0x7], $0x4000, $0x38;
	[tilespmem:$0x12800] =	vst v63  }
0x1b8: {  	_ =	swait.ge [sflag:s9], $0x4000  }
0x1b9: {  	[sflag:s9] =	ssyncset.done $0x0  }
0x1ba: {  	[sflag:s9] =	ssyncadd.s32 $0xFFFFC000  }
0x1bb: {  	[tilespmem:s5], [sflag:$0x3] =	stream.indirect.gather [hbm4b:s3+s13], $0x20, s29, s13, $0xb8;
	[tilespmem:$0x12800] =	vst v63  }
0x1bc: {  	_ =	swait.ge [sflag:s8], $0x4000  }
0x1bd: {  	[sflag:s8] =	ssyncset.done $0x0  }
0x1be: {  	s29 =	rddreg [dreg:$0xb];
	[sflag:s8] =	ssyncadd.s32 $0xFFFFC000  }
0x1bf: {  	[hbm4b:s29+s2] =	stream.linear.scatter [tilespmem:s4], [sflag:$0x8], $0x4000, $0x38;
	[tilespmem:$0x12800] =	vst v63  }
0x1c0: {  	_ =	swait.ge [sflag:s6], $0x4000  }
0x1c1: {  	[sflag:s6] =	ssyncset.done $0x0  }
0x1c2: {  	[sflag:s6] =	ssyncadd.s32 $0xFFFFC000  }
0x1c3: {  	[tilespmem:s4], [sflag:$0x4] =	stream.indirect.gather [hbm4b:s3+s13], $0x20, s28, s13, $0xb8;
	[tilespmem:$0x12800] =	vst v63  }
0x1c4: {  	_ =	swait.ge [sflag:s16], $0x4000  }
0x1c5: {  	[sflag:s16] =	ssyncset.done $0x0  }
0x1c6: {  	s30 =	rddreg [dreg:$0xc];
	[sflag:s16] =	ssyncadd.s32 $0xFFFFC000  }
0x1c7: {  	[hbm4b:s30+s2] =	stream.linear.scatter [tilespmem:s10], [sflag:$0x5], $0x4000, $0x38;
	[tilespmem:$0x12800] =	vst v63  }
0x1c8: {  	_ =	swait.ge [sflag:s15], $0x4000  }
0x1c9: {  	[sflag:s15] =	ssyncset.done $0x0  }
0x1ca: {  	[sflag:s15] =	ssyncadd.s32 $0xFFFFC000  }
0x1cb: {  	[tilespmem:s10], [sflag:$0x1] =	stream.indirect.gather [hbm4b:s3+s13], $0x20, s26, s13, $0xb8;
	[tilespmem:$0x12800] =	vst v63  }
0x1cc: {  	_ =	swait.ge [sflag:s14], $0x4000  }
0x1cd: {  	[sflag:s14] =	ssyncset.done $0x0  }
0x1ce: {  	s31 =	rddreg [dreg:$0xd];
	[sflag:s14] =	ssyncadd.s32 $0xFFFFC000  }
0x1cf: {  	[hbm4b:s31+s2] =	stream.linear.scatter [tilespmem:s7], [sflag:$0x6], $0x4000, $0x38;
	[tilespmem:$0x12800] =	vst v63  }
0x1d0: {  	_ =	swait.ge [sflag:s12], $0x4000  }
0x1d1: {  	[sflag:s12] =	ssyncset.done $0x0  }
0x1d2: {  	[sflag:s12] =	ssyncadd.s32 $0xFFFFC000  }
0x1d3: {  	[tilespmem:s7], [sflag:$0x2] =	stream.indirect.gather [hbm4b:s3+s13], $0x20, s24, s13, $0xb8;
	[tilespmem:$0x12800] =	vst v63  }
0x1d4: {  	_ =	swait.ge [sflag:s11], $0x4000  }
0x1d5: {  	[sflag:s11] =	ssyncset.done $0x0  }
0x1d6: {  	s1 =	rddreg [dreg:$0xe];
	[sflag:s11] =	ssyncadd.s32 $0xFFFFC000  }
0x1d7: {  	[hbm4b:s1+s2] =	stream.linear.scatter [tilespmem:s5], [sflag:$0x7], $0x4000, $0x38;
	[tilespmem:$0x12800] =	vst v63  }
0x1d8: {  	_ =	swait.ge [sflag:s9], $0x4000  }
0x1d9: {  	[sflag:s9] =	ssyncset.done $0x0  }
0x1da: {  	[sflag:s9] =	ssyncadd.s32 $0xFFFFC000  }
0x1db: {  	[tilespmem:s5], [sflag:$0x3] =	stream.indirect.gather [hbm4b:s3+s13], $0x20, s23, s13, $0xb8;
	[tilespmem:$0x12800] =	vst v63  }
0x1dc: {  	_ =	swait.ge [sflag:s8], $0x4000  }
0x1dd: {  	[sflag:s8] =	ssyncset.done $0x0  }
0x1de: {  	s18 =	rddreg [dreg:$0xf];
	[sflag:s8] =	ssyncadd.s32 $0xFFFFC000  }
0x1df: {  	[hbm4b:s18+s2] =	stream.linear.scatter [tilespmem:s4], [sflag:$0x8], $0x4000, $0x38;
	[tilespmem:$0x12800] =	vst v63  }
0x1e0: {  	_ =	swait.ge [sflag:s6], $0x4000  }
0x1e1: {  	[sflag:s6] =	ssyncset.done $0x0  }
0x1e2: {  	[sflag:s6] =	ssyncadd.s32 $0xFFFFC000  }
0x1e3: {  	[tilespmem:s4], [sflag:$0x4] =	stream.indirect.gather [hbm4b:s3+s13], $0x20, s22, s13, $0xb8;
	[tilespmem:$0x12800] =	vst v63  }
0x1e4: {  	_ =	swait.ge [sflag:s16], $0x4000  }
0x1e5: {  	[sflag:s16] =	ssyncset.done $0x0  }
0x1e6: {  	s22 =	rddreg [dreg:$0x10];
	[sflag:s16] =	ssyncadd.s32 $0xFFFFC000  }
0x1e7: {  	[hbm4b:s22+s2] =	stream.linear.scatter [tilespmem:s10], [sflag:$0x5], $0x4000, $0x38;
	[tilespmem:$0x12800] =	vst v63  }
0x1e8: {  	_ =	swait.ge [sflag:s15], $0x4000  }
0x1e9: {  	[sflag:s15] =	ssyncset.done $0x0  }
0x1ea: {  	[sflag:s15] =	ssyncadd.s32 $0xFFFFC000  }
0x1eb: {  	[tilespmem:s10], [sflag:$0x1] =	stream.indirect.gather [hbm4b:s3+s13], $0x20, s21, s13, $0xb8;
	[tilespmem:$0x12800] =	vst v63  }
0x1ec: {  	_ =	swait.ge [sflag:s14], $0x4000  }
0x1ed: {  	[sflag:s14] =	ssyncset.done $0x0  }
0x1ee: {  	s23 =	rddreg [dreg:$0x11];
	[sflag:s14] =	ssyncadd.s32 $0xFFFFC000  }
0x1ef: {  	[hbm4b:s23+s2] =	stream.linear.scatter [tilespmem:s7], [sflag:$0x6], $0x4000, $0x38;
	[tilespmem:$0x12800] =	vst v63  }
0x1f0: {  	_ =	swait.ge [sflag:s12], $0x4000  }
0x1f1: {  	[sflag:s12] =	ssyncset.done $0x0  }
0x1f2: {  	[sflag:s12] =	ssyncadd.s32 $0xFFFFC000  }
0x1f3: {  	[tilespmem:s7], [sflag:$0x2] =	stream.indirect.gather [hbm4b:s3+s13], $0x20, s20, s13, $0xb8;
	[tilespmem:$0x12800] =	vst v63  }
0x1f4: {  	_ =	swait.ge [sflag:s11], $0x4000  }
0x1f5: {  	[sflag:s11] =	ssyncset.done $0x0  }
0x1f6: {  	s24 =	rddreg [dreg:$0x12];
	[sflag:s11] =	ssyncadd.s32 $0xFFFFC000  }
0x1f7: {  	[hbm4b:s24+s2] =	stream.linear.scatter [tilespmem:s5], [sflag:$0x7], $0x4000, $0x38;
	[tilespmem:$0x12800] =	vst v63  }
0x1f8: {  	_ =	swait.ge [sflag:s9], $0x4000  }
0x1f9: {  	[sflag:s9] =	ssyncset.done $0x0  }
0x1fa: {  	[sflag:s9] =	ssyncadd.s32 $0xFFFFC000  }
0x1fb: {  	[tilespmem:s5], [sflag:$0x3] =	stream.indirect.gather [hbm4b:s3+s13], $0x20, s19, s13, $0xb8;
	[tilespmem:$0x12800] =	vst v63  }
0x1fc: {  	_ =	swait.ge [sflag:s8], $0x4000  }
0x1fd: {  	[sflag:s8] =	ssyncset.done $0x0  }
0x1fe: {  	s25 =	rddreg [dreg:$0x13];
	[sflag:s8] =	ssyncadd.s32 $0xFFFFC000  }
0x1ff: {  	[hbm4b:s25+s2] =	stream.linear.scatter [tilespmem:s4], [sflag:$0x8], $0x4000, $0x38;
	[tilespmem:$0x12800] =	vst v63  }
0x200: {  	_ =	swait.ge [sflag:s6], $0x4000  }
0x201: {  	[sflag:s6] =	ssyncset.done $0x0  }
0x202: {  	s26 =	simm.s32 $0x2600;
	[sflag:s6] =	ssyncadd.s32 $0xFFFFC000  }
0x203: {  	[tilespmem:s4], [sflag:$0x4] =	stream.indirect.gather [hbm4b:s3+s13], $0x20, s26, s13, $0xb8;
	[tilespmem:$0x12800] =	vst v63  }
0x204: {  	_ =	swait.ge [sflag:s16], $0x4000  }
0x205: {  	[sflag:s16] =	ssyncset.done $0x0  }
0x206: {  	s28 =	rddreg [dreg:$0x14];
	[sflag:s16] =	ssyncadd.s32 $0xFFFFC000  }
0x207: {  	[hbm4b:s28+s2] =	stream.linear.scatter [tilespmem:s10], [sflag:$0x5], $0x4000, $0x38;
	[tilespmem:$0x12800] =	vst v63  }
0x208: {  	_ =	swait.ge [sflag:s15], $0x4000  }
0x209: {  	[sflag:s15] =	ssyncset.done $0x0  }
0x20a: {  	[sflag:s15] =	ssyncadd.s32 $0xFFFFC000  }
0x20b: {  	_ =	swait.ge [sflag:s14], $0x4000  }
0x20c: {  	[sflag:s14] =	ssyncset.done $0x0  }
0x20d: {  	s29 =	rddreg [dreg:$0x15];
	[sflag:s14] =	ssyncadd.s32 $0xFFFFC000  }
0x20e: {  	[hbm4b:s29+s2] =	stream.linear.scatter [tilespmem:s7], [sflag:$0x6], $0x4000, $0x38;
	[tilespmem:$0x12800] =	vst v63  }
0x20f: {  	_ =	swait.ge [sflag:s12], $0x4000  }
0x210: {  	[sflag:s12] =	ssyncset.done $0x0  }
0x211: {  	[sflag:s12] =	ssyncadd.s32 $0xFFFFC000  }
0x212: {  	_ =	swait.ge [sflag:s11], $0x4000  }
0x213: {  	[sflag:s11] =	ssyncset.done $0x0  }
0x214: {  	s30 =	rddreg [dreg:$0x16];
	[sflag:s11] =	ssyncadd.s32 $0xFFFFC000  }
0x215: {  	[hbm4b:s30+s2] =	stream.linear.scatter [tilespmem:s5], [sflag:$0x7], $0x4000, $0x38;
	[tilespmem:$0x12800] =	vst v63  }
0x216: {  	_ =	swait.ge [sflag:s9], $0x4000  }
0x217: {  	[sflag:s9] =	ssyncset.done $0x0  }
0x218: {  	[sflag:s9] =	ssyncadd.s32 $0xFFFFC000  }
0x219: {  	_ =	swait.ge [sflag:s8], $0x4000  }
0x21a: {  	[sflag:s8] =	ssyncset.done $0x0  }
0x21b: {  	s31 =	rddreg [dreg:$0x17];
	[sflag:s8] =	ssyncadd.s32 $0xFFFFC000  }
0x21c: {  	[hbm4b:s31+s2] =	stream.linear.scatter [tilespmem:s4], [sflag:$0x8], $0x4000, $0x38;
	[tilespmem:$0x12800] =	vst v63  }
0x21d: {  	_ =	swait.ge [sflag:s6], $0x4000  }
0x21e: {  	[sflag:s6] =	ssyncset.done $0x0  }
0x21f: {  	[sflag:s6] =	ssyncadd.s32 $0xFFFFC000  }
0x220: {  	_ =	sfence.sel $0x180000  }
0x221: {  	[bflag:$0x0] =	sbarrier.arrive $0xFFFF  }
0x222: {  	_ =	strace $0x90000047  }
0x223: {  	[bflag:$0x2] =	sbarrier.arrive $0xFFFF  }
0x224: {  	p0 =	sne.s32 s17, $0x0;
	s0 =	rddreg [dreg:$0x3]  }
0x225: {  	s0 =	sadd.s32 @!p0 $0x100000, s0  }
0x226: {  	[sflag:s0] =	ssyncadd.tile.s32 @!p0 $0x1;
	_ =	shalt  }
.LBB2_1:
.Ltmp3:
0x227: {  	(pc) =	sbr.rel .LBB2_6-.Ltmp3, $4  }
0x228: {  	s18 =	simm.s32 $0x1000;
	s30 =	simm.s32 $0x1200  }
0x229: {  	s29 =	simm.s32 $0x1400;
	s28 =	simm.s32 $0x1600;
	s26 =	simm.s32 $0x1800  }
0x22a: {  	s24 =	simm.s32 $0x1A00;
	s23 =	simm.s32 $0x1C00;
	s22 =	simm.s32 $0x1E00  }
0x22b: {  	s21 =	simm.s32 $0x2000;
	s20 =	simm.s32 $0x2200;
	s19 =	simm.s32 $0x2400  }
.LBB2_3:
.Ltmp4:
0x22c: {  	(pc) =	sbr.rel .LBB2_6-.Ltmp4, $4  }
0x22d: {  	s18 =	simm.s32 $0x1000;
	s30 =	simm.s32 $0x1200;
	s29 =	simm.s32 $0x1400  }
0x22e: {  	s28 =	simm.s32 $0x1600;
	s26 =	simm.s32 $0x1800;
	s24 =	simm.s32 $0x1A00  }
0x22f: {  	s23 =	simm.s32 $0x1C00;
	s22 =	simm.s32 $0x1E00;
	s21 =	simm.s32 $0x2000  }
0x230: {  	s20 =	simm.s32 $0x2200;
	s19 =	simm.s32 $0x2400;
	s17 =	stileid.u32  }
.Lfunc_end2:
_tile_overlayer_lowered:
.L_overlay_start_2:
0x231: {  	(tag) =	ssettag $0x2  }
0x232: {  	s0 =	rddreg [dreg:$0x0];
	s2 =	stileid.u32  }
0x233: {  	s1 =	rddreg [dreg:$0x1];
	p0 =	sne.s32 s2, $0x0  }
0x234: {  	s3 =	rddreg [dreg:$0x2];
	[bflag:$0x3] =	sbarrier.arrive $0xFFFF;
	s2 =	simm.s32 @!p0 $0x1C09  }
0x235: {  	[timem:s3], [sflag:s2] =	dma.local @!p0 [hbm:s0], s1  }
0x236: {  	s0 =	simm.s32 @!p0 $0x9  }
0x237: {  	_ =	swait.ge @!p0 [sflag:s0], s1  }
0x238: {  	s1 =	ssub.s32 @!p0 $0x0, s1;
	[sflag:s0] =	ssyncset.done @!p0 $0x0  }
0x239: {  	[sflag:s0] =	ssyncadd.s32 @!p0 s1  }
0x23a: {  	[bflag:$0x3] =	sbarrier.arrive $0xFFFF  }
0x23b: {  	_ =	shalt  }

// kernel: sparse-core-data-format-call.cloned.1.call-start
scs
called_computation_lowered:
.L_overlay_start_0:
0x0: {  	s2 =	sld [smem:$0x3FD9]  }
0x1: {  	s3 =	sld [smem:$0x3FFE];
	_ =	sdelay $0x1  }
0x2: {  	s1 =	srdreg.scid  }
0x3: {  	s0 =	sand.u32 $0x1, s1  }
0x4: {  	s15 =	sshll.u32 s0, $0xA;
	s2 =	sadd.s32 s3, s2  }
0x5: {  	s2 =	sadd.s32 s2, s15  }
0x6: {  	[smem:$0x3FC6] =	sst s2  }
0x7: {  	_ = 	snop  }
0x8: {  	s2 =	sld [smem:$0x3FD0];
	_ =	sdelay $0x2  }
0x9: {  	s16 =	simm.s32 $0xA;
	s4 =	simm.s32 $0x10  }
0xa: {  	[smem:s4], [sflag:s16] =	dma.local [hbm:s2], $0x1  }
0xb: {  	_ =	swait.eq [sflag:s16], $0x1  }
0xc: {  	[sflag:s16] =	ssyncset.done $0x0  }
0xd: {  	[sflag:s16] =	ssyncadd.s32 $0xFFFFFFFF  }
0xe: {  	s17 =	sld [smem:$0x10];
	(tm) =	ssettm $0x1  }
0xf: {  	s18 =	sld [smem:$0x3FFB];
	_ =	sdelay $0x3  }
0x10: {  	_ =	strace s18  }
0x11: {  	s3 =	sld [smem:$0x3FFC];
	_ =	sdelay $0x3  }
0x12: {  	_ =	strace s3  }
0x13: {  	s3 =	sld [smem:$0x3FFD];
	_ =	sdelay $0x3  }
0x14: {  	_ =	strace s3  }
0x15: {  	_ =	strace $0x8FFFFFFF  }
0x16: {  	s19 =	sld [smem:$0x3FDB];
	_ =	sdelay $0x1  }
0x17: {  	s20 =	simm.s32 $_scs_section_size  }
0x18: {  	s5 =	simm.s32 $_size__tile_overlayer_lowered;
	s6 =	simm.s32 $_tile_overlayer_lowered  }
0x19: {  	s23 =	simm.s32 $0x1BFF;
	s22 =	sshll.u32 s6, $0x1;
	s3 =	sadd.s32 s20, s19  }
0x1a: {  	s7 =	simm.s32 $0x0;
	s21 =	sshll.u32 s5, $0x1;
	s5 =	sadd.s32 s22, s3  }
0x1b: {  	[timem:s7], [sflag:s23] =	dma.local [hbm:s5], s21  }
0x1c: {  	_ =	swait.ge [sflag:s23], s21  }
0x1d: {  	s4 =	ssub.s32 $0x0, s21;
	[sflag:s23] =	ssyncset.done $0x0  }
0x1e: {  	[sflag:s23] =	ssyncadd.s32 s4;
	_ =	sdelay $0x1  }
0x1f: {  	s24 =	simm.s32 $0x1B8B  }
0x20: {  	_ =	swait.ge [sflag:s24], $0x1  }
0x21: {  	[sflag:s24] =	ssyncset.done $0x0  }
0x22: {  	s26 =	simm.s32 $0x1B8E;
	s25 =	sld [smem:$0x3FFE];
	[sflag:s24] =	ssyncadd.s32 $0xFFFFFFFF  }
0x23: {  	s27 =	simm.s32 $execute0_lowered;
	[smem:$0x3FD2] =	sst s26  }
0x24: {  	s5 =	sshll.u32 s27, $0x1;
	_ =	strace $0x80000049;
	[dreg:$0x1] =	wrdreg $0xFFFFFFFF  }
0x25: {  	s28 =	simm.s32 $_size_execute0_lowered;
	s3 =	sadd.s32 s3, s5;
	[dreg:$0x0] =	wrdreg $0x0  }
0x26: {  	s5 =	sshll.u32 s28, $0x1;
	[dreg:$0x2] =	wrdreg s3  }
0x27: {  	[dreg:$0x3] =	wrdreg s5  }
0x28: {  	[dreg:$0x4] =	wrdreg $0xC0  }
0x29: {  	_ =	task [dreg:s7], $0x5FFFF  }
0x2a: {  	[dreg:$0x1] =	wrdreg $0xFFFFFFFF  }
0x2b: {  	[dreg:$0x0] =	wrdreg $0x60  }
0x2c: {  	[dreg:$0x2] =	wrdreg s25  }
0x2d: {  	[dreg:$0x3] =	wrdreg s17  }
0x2e: {  	[dreg:$0x4] =	wrdreg $0x9  }
0x2f: {  	_ =	task.clear_ibuf [dreg:s7], $0x5FFFF;
	_ =	strace $0x90000049  }
0x30: {  	s29 =	simm.s32 $0x9;
	_ =	strace $0x8000004B  }
0x31: {  	_ =	swait.ge [sflag:s29], $0x1  }
0x32: {  	[sflag:s29] =	ssyncadd.s32 $0xFFFFFFFF  }
0x33: {  	_ =	strace $0x9000004B  }
0x34: {  	_ =	sfence  }
0x35: {  	s30 =	sld [smem:$0x0];
	_ =	sdelay $0x2  }
0x36: {  	s31 =	sshll.u32 s1, $0xD;
	s1 =	sshrl.u32 s1, $0x2  }
0x37: {  	s3 =	sand.u32 $0x4000, s31;
	s1 =	sadd.s32 s1, s30  }
0x38: {  	s0 =	sor.u32 s3, s0;
	s1 =	sshll.u32 s1, $0x11  }
0x39: {  	s0 =	sor.u32 s1, s0  }
0x3a: {  	s0 =	sadd.s32 $0x8F2B, s0  }
0x3b: {  	[sflag:s0] =	ssyncadd.remote.s32 $0x1  }
0x3c: {  	_ =	sfence.sel $0xFFFF  }
0x3d: {  	[dreg:$0x0] =	wrdreg $0xFFFFFFFF;
	(pc) =	sbr.abs _section_cstart, $3  }
0x3e: {  	[dreg:$0x1] =	wrdreg $0xFFFFFFFF  }
0x3f: {  	_ =	task.clear_ibuf [dreg:s7], $0x2FFFF;
	_ =	strace $0x9FFFFFFF  }
0x40: {  	(tm) =	ssettm $0x7FFFFFFF  }
0x41: {  	_ =	shalt  }
tec
execute0_lowered:
.L_overlay_start_1:
0x0: {  	(tag) =	ssettag $0x1  }
0x1: {  	s0 =	srdreg.scid  }
0x2: {  	s1 =	sshll.u32 s0, $0x4  }
0x3: {  	s0 =	stileid.u32;
	s1 =	sand.u32 $0x10, s1  }
0x4: {  	s1 =	sor.u32 s0, s1  }
0x5: {  	s6 =	rddreg [dreg:$0x0];
	s4 =	simm.s32 $0x1;
	s2 =	sshll.u32 s1, $0x7  }
0x6: {  	s7 =	simm.s32 $0x2;
	s12 =	simm.s32 $0x0;
	s1 =	ssub.s32 $0x4000, s2  }
0x7: {  	s8 =	simm.s32 $0x20000;
	s13 =	simm.s32 $0x0;
	s3 =	sand.u32 $0xF80, s1  }
0x8: {  	s9 =	simm.s32 $0x0;
	s5 =	sshrl.u32 s1, $0xC;
	p0 =	sne.s32 s3, $0x0  }
.Ltmp0:
0x9: {  	s1 =	rddreg [dreg:$0x2];
	s4 =	simm.s32 @!p0 $0x0;
	(pc) =	sbr.rel .LBB1_1-.Ltmp0, $4  }
0xa: {  	s11 =	simm.s32 $0x0;
	s3 =	rddreg [dreg:$0x1];
	s5 =	sadd.s32 s4, s5  }
0xb: {  	_ =	strace $0x8000004A;
	s4 =	simm.s32 $0x1;
	s5 =	smul.u32 $0x14, s5  }
0xc: {  	s6 =	sadd.s32 $0xA00, s6;
	s10 =	smov.u32 s2;
	[sflag:s4] =	ssyncpa.u1 $0x0  }
0xd: {  	p0 =	por $0x0, $0x0;
	[sflag:s7] =	ssyncpa.u1 $0x0;
	s7 =	sor.u32 $0x1, s5  }
.LBB1_4:
0xe: {  	s16 =	sshll.u32 s13, $0x3;
	s17 =	sand.u32 $0x78, s13  }
0xf: {  	s30 =	sand.u32 $0xF800, s13;
	s12 =	sshll.u32 s12, $0x10;
	s16 =	sand.u32 $0x3C00, s16  }
0x10: {  	s31 =	sand.u32 $0x7, s13;
	s16 =	sor.u32 s17, s16;
	s17 =	sadd.s32 s3, s30  }
0x11: {  	s13 =	sshll.u32 s31, $0x12;
	s16 =	sshrl.u32 s16, $0x3;
	s12 =	sadd.s32 s12, s17  }
0x12: {  	[tilespmem:s15+$0x0 ss:$0x81] =	vst.msk $0xffff, v0;
	s13 =	sor.u32 $0x400, s13;
	s12 =	sadd.s32 s16, s12  }
0x13: {  	[hbm4b:s12+s13] =	stream.strided.scatter [tilespmem:s14], [sflag:$0x2], $0x1000, s8, s13, $0x20;
	[tilespmem:$0x4040] =	vst v63  }
.LBB1_5:
0x14: {  	s14 =	sadd.s32 $0x1, s9  }
0x15: {  	s12 =	sadd.s32 $0x1000, s10;
	s16 =	smov.u32 s10;
	p2 =	sgt.s32 s14, $0x13  }
0x16: {  	s16 =	smov.u32 @p2 s12  }
0x17: {  	s14 =	simm.s32 @p2 $0x0;
	p2 =	sgt.s32 s16, $0x3FFF  }
0x18: {  	s16 =	smov.u32 @p2 s2;
	p2 =	sne.s32 s11, s7  }
.Ltmp1:
0x19: {  	p1 =	slt.u32 s11, $0x2;
	(pc) =	sbr.rel @!p2 .LBB1_6-.Ltmp1, $4  }
0x1a: {  	s15 =	simm.s32 @!p1 $0x2  }
0x1b: {  	s13 =	smov.u32 s10;
	p0 =	por !p0, !p0;
	_ =	swait.ge @!p1 [sflag:s15], $0x1000  }
0x1c: {  	s12 =	smov.u32 s9;
	[sflag:s15] =	ssyncset.done @!p1 $0x0;
	s9 =	smov.u32 s14  }
0x1d: {  	s11 =	sadd.s32 $0x1, s11;
	[sflag:s15] =	ssyncadd.s32 @!p1 $0xFFFFF000;
	s10 =	smov.u32 s16  }
.LBB1_1:
0x1e: {  	p1 =	sge.u32 s11, s5  }
0x1f: {  	s14 =	sand.u32 @!p1 $0x1FFFFFF, s9  }
0x20: {  	s15 =	smulhi.u32 @!p1 $0xAAAAAAB, s14;
	_ =	sdelay $0x1  }
0x21: {  	s15 =	smul.u32 @!p1 $0x18, s15  }
0x22: {  	s16 =	sxor.u32 @!p1 $0xFFFFFFFF, s11;
	s17 =	smul.u32 @!p1 $0x180, s10  }
0x23: {  	s31 =	sadd.s32 $0xFFFFFFFF, s11;
	s16 =	sshll.u32 @!p1 s16, $0xC;
	s14 =	ssub.s32 @!p1 s14, s15  }
0x24: {  	s15 =	sand.u32 @!p1 $0x1000, s16;
	s16 =	sadd.s32 @!p1 s6, s17;
	s14 =	sshll.u32 @!p1 s14, $0x4  }
0x25: {  	s17 =	simm.s32 @!p1 $0xC00;
	s14 =	sadd.s32 @!p1 s14, s16;
	s16 =	simm.s32 @!p1 $0x20  }
0x26: {  	[tilespmem:s15], [sflag:$0x1] =	stream.strided.gather @!p1 [hbm4b:s14+s16], $0x1000, s17, s16, $0x38;
	[tilespmem:$0x4040] =	vst v63  }
0x27: {  	p1 =	sge.u32 s31, s5  }
.Ltmp2:
0x28: {  	_ = 	snop;
	(pc) =	sbr.rel @p1 .LBB1_5-.Ltmp2, $1  }
0x29: {  	_ =	sdelay $0x3  }
0x2a: {  	s14 =	simm.s32 $0x1  }
0x2b: {  	_ =	swait.ge [sflag:s4], $0x1000;
	s14 =	simm.s32 @!p0 $0x0  }
0x2c: {  	[sflag:s4] =	ssyncset.done $0x0;
	s15 =	sshll.u32 s14, $0xC  }
0x2d: {  	[sflag:s4] =	ssyncadd.s32 $0xFFFFF000;
	s18 =	sor.u32 $0x10, s15  }
0x2e: {  	s14 =	smul.u32 $0x4080, s14;
	v1 =	vld [tilespmem:s18+$0x0]  }
0x2f: {  	s30 =	sand.u32 $0x1, s11;
	v0 =	vld [tilespmem:s18+$0xFFFFFFF0]  }
0x30: {  	s15 =	smul.u32 $0x4080, s30;
	s14 =	sshrl.u32 s14, $0x2  }
0x31: {  	s16 =	sor.u32 $0x2000, s14  }
0x32: {  	s31 =	sshrl.u32 s15, $0x2;
	s15 =	sadd.s32 $0x0, s16  }
0x33: {  	s17 =	simm.s32 $0x4;
	s18 =	sadd.s32 $0x20, s18;
	s14 =	sor.u32 $0x2000, s31;
	[tilespmem:s15+$0x810 ss:$0x81] =	vst.msk $0xffff, v1  }
.LBB1_3:
0x34: {  	v1 =	vld [tilespmem:s18+$0x0];
	p1 =	sne.s32 s17, $0x1FC;
	[tilespmem:s15+$0x0 ss:$0x81] =	vst.msk $0xffff, v0;
	s15 =	smov.u32 s17;
	s17 =	sadd.s32 $0x4, s17  }
.Ltmp3:
0x35: {  	v0 =	vld [tilespmem:s18+$0xFFFFFFF0];
	(pc) =	sbr.rel @p1 .LBB1_3-.Ltmp3, $4  }
0x36: {  	_ = 	snop  }
0x37: {  	s15 =	sshra.s32 s15, $0x2  }
0x38: {  	s15 =	sadd.s32 s15, s16  }
0x39: {  	s18 =	sadd.s32 $0x20, s18;
	[tilespmem:s15+$0x810 ss:$0x81] =	vst.msk $0xffff, v1  }
.Ltmp4:
0x3a: {  	_ = 	snop;
	(pc) =	sbr.rel .LBB1_4-.Ltmp4, $1  }
0x3b: {  	_ =	sdelay $0x3  }
.LBB1_6:
0x3c: {  	_ =	sfence.sel $0x180000  }
0x3d: {  	s2 =	simm.s32 $0x1;
	[bflag:$0x0] =	sbarrier.arrive $0xFFFF  }
0x3e: {  	s31 =	simm.s32 $0x2;
	[sflag:s2] =	ssyncpa.u1 $0x1  }
0x3f: {  	[sflag:s31] =	ssyncpa.u1 $0x1  }
0x40: {  	p0 =	sne.s32 s0, $0x0;
	_ =	strace $0x9000004A  }
0x41: {  	s0 =	sadd.s32 @!p0 $0x100000, s1;
	[bflag:$0x2] =	sbarrier.arrive $0xFFFF  }
0x42: {  	[sflag:s0] =	ssyncadd.tile.s32 @!p0 $0x1;
	_ =	shalt  }
.Lfunc_end1:
_tile_overlayer_lowered:
.L_overlay_start_2:
0x43: {  	(tag) =	ssettag $0x2  }
0x44: {  	s0 =	rddreg [dreg:$0x0];
	s2 =	stileid.u32  }
0x45: {  	s1 =	rddreg [dreg:$0x1];
	p0 =	sne.s32 s2, $0x0  }
0x46: {  	s3 =	rddreg [dreg:$0x2];
	[bflag:$0x3] =	sbarrier.arrive $0xFFFF;
	s2 =	simm.s32 @!p0 $0x1C01  }
0x47: {  	[timem:s3], [sflag:s2] =	dma.local @!p0 [hbm:s0], s1  }
0x48: {  	s0 =	simm.s32 @!p0 $0x1  }
0x49: {  	_ =	swait.ge @!p0 [sflag:s0], s1  }
0x4a: {  	s1 =	ssub.s32 @!p0 $0x0, s1;
	[sflag:s0] =	ssyncset.done @!p0 $0x0  }
0x4b: {  	[sflag:s0] =	ssyncadd.s32 @!p0 s1  }
0x4c: {  	[bflag:$0x3] =	sbarrier.arrive $0xFFFF  }
0x4d: {  	_ =	shalt  }

</sc_bundles>
